<compile_context>
chip_gen: v7x
topology: tpu7x:2x2x1
jax: 0.10.2.dev20260603
libtpu: 0.0.44.dev20260713+nightly
codegen_flags: <defaults>
</compile_context>

<pallas_src>
import jax
import jax.numpy as jnp
from jax import lax
from jax.experimental import pallas as pl
from jax.experimental.pallas import tpu as pltpu
from jax.experimental.pallas import tpu_sc as plsc

_B, _V, _L = 16384, 1000, 200
_NC, _NS = 2, 16
_NW = _NC * _NS
_RPW = _B // _NW
_R = 16
_NCHUNK = _RPW // _R
_WINDOWS = (*range(0, _L - 16, 16), _L - 16)


def _apply_body(data_hbm, idx_hbm, upd_hbm, win_hbm, out_hbm,
                rows_v, win_v, idx_v, upd_v):
    wid = lax.axis_index("s") * _NC + lax.axis_index("c")
    row0 = wid * _RPW
    lane = lax.iota(jnp.int32, 16)

    def chunk(c, carry):
        base = row0 + c * _R
        pltpu.sync_copy(data_hbm.at[pl.ds(base * _V, _R * _V)], rows_v)
        pltpu.sync_copy(win_hbm.at[pl.ds(base * _V, _R * _V)], win_v)
        pltpu.sync_copy(idx_hbm.at[pl.ds(base * _L, _R * _L)], idx_v)
        pltpu.sync_copy(upd_hbm.at[pl.ds(base * _L, _R * _L)], upd_v)

        def row(r, carry2):
            jb = r * _L
            rb = r * _V
            for jo in _WINDOWS:
                idx = idx_v[pl.ds(jb + jo, 16)]
                upd = upd_v[pl.ds(jb + jo, 16)]
                lin = idx + rb
                winv = plsc.load_gather(win_v, [lin]).astype(jnp.int32)
                mask = winv == (lane + jo)
                plsc.store_scatter(rows_v, [lin], upd, mask=mask)
            return carry2

        lax.fori_loop(0, _R, row, 0)
        pltpu.sync_copy(rows_v, out_hbm.at[pl.ds(base * _V, _R * _V)])
        return carry

    lax.fori_loop(0, _NCHUNK, chunk, 0)


def kernel(data, indices, updates):
    rows = jnp.arange(_B, dtype=jnp.int32)[:, None]
    jpay = updates * 0.0 + lax.broadcasted_iota(jnp.float32, (_B, _L), 1)
    win = (data * 0.0 - 1.0).at[rows, indices].set(jpay)

    apply_k = pl.kernel(
        _apply_body,
        out_type=jax.ShapeDtypeStruct((_B * _V,), jnp.float32),
        mesh=plsc.VectorSubcoreMesh(
            core_axis_name="c", subcore_axis_name="s",
            num_cores=_NC, num_subcores=_NS,
        ),
        scratch_types=[
            pltpu.VMEM((_R * _V,), jnp.float32),
            pltpu.VMEM((_R * _V,), jnp.float32),
            pltpu.VMEM((_R * _L,), jnp.int32),
            pltpu.VMEM((_R * _L,), jnp.float32),
        ],
        compiler_params=pltpu.CompilerParams(needs_layout_passes=False),
    )
    out = apply_k(data.reshape(-1), indices.reshape(-1), updates.reshape(-1),
                  win.reshape(-1))
    return out.reshape(_B, _V)

# --- scband reference (transcript-rebuilt; emitter-appended) ---
"""Pipeline reference for scband-scatter-ndmodel-86878598463888 (READ-ONLY COPY).

The authoritative reference and input builder live on the scoring server;
editing this copy changes nothing except your own understanding.
"""

import jax, jax.numpy as jnp
import numpy as np

B = 16384
V = 1000
L = 200

def setup_inputs(seed: int = 0) -> dict:
    key = jax.random.key(seed)
    k1, k2, k3 = jax.random.split(key, 3)
    data = jax.random.normal(k1, (B, V), dtype=jnp.float32)
    # int32 used to avoid requiring jax x64 mode; values identical in range to int64 spec
    indices = jax.random.randint(k2, (B, L), 0, V, dtype=jnp.int32)
    updates = jax.random.normal(k3, (B, L), dtype=jnp.float32)
    return {"data": data, "indices": indices, "updates": updates}

def reference(data, indices, updates):
    # torch: data.scatter_(dim=1, index=indices, src=updates)
    # per-row scatter-overwrite along axis 1
    rows = jnp.arange(data.shape[0], dtype=indices.dtype)[:, None]
    out = data.at[rows, indices].set(updates)
    return out

if __name__ == "__main__":
    import jax
    _d = setup_inputs()
    print(jax.jit(kernel)(*tuple(_d.values())))

</pallas_src>

<mosaic_0001>
#map = affine_map<(d0, d1) -> (0)>
module attributes {stable_mosaic.version = 14 : i64} {
  func.func @_apply_body(%arg0: i32, %arg1: i32, %arg2: memref<16384000xf32, #tpu.memory_space<hbm>>, %arg3: memref<3276800xi32, #tpu.memory_space<hbm>>, %arg4: memref<3276800xf32, #tpu.memory_space<hbm>>, %arg5: memref<16384000xf32, #tpu.memory_space<hbm>>, %arg6: memref<16384000xf32, #tpu.memory_space<hbm>>, %arg7: memref<16000xf32, #tpu.memory_space<vmem>>, %arg8: memref<16000xf32, #tpu.memory_space<vmem>>, %arg9: memref<3200xi32, #tpu.memory_space<vmem>>, %arg10: memref<3200xf32, #tpu.memory_space<vmem>>) attributes {dimension_semantics = [#tpu.dimension_semantics<core_parallel>, #tpu.dimension_semantics<subcore_parallel>], iteration_bounds = array<i64: 2, 16>, scalar_prefetch = 0 : i64, scratch_operands = 4 : i64, tpu.core_type = #tpu.core_type<sc_vector_subcore>, window_params = [{transform_indices = #map}, {transform_indices = #map}, {transform_indices = #map}, {transform_indices = #map}, {transform_indices = #map}]} {
    %mul3A = arith.constant 2 : i32
    %mul3A_0 = arith.muli %arg1, %mul3A : i32
    %add3A = arith.addi %mul3A_0, %arg0 : i32
    %mul3A_1 = arith.constant 512 : i32
    %mul3A_2 = arith.muli %add3A, %mul3A_1 : i32
    %iota3A = tpu.iota {dimensions = array<i32: 0>} : vector<16xi32>
    %scan3A = arith.constant 0 : i32
    %scan3A_3 = arith.constant 0 : i32
    %scan3A_4 = arith.constant 32 : i32
    %scan3A_5 = arith.addi %scan3A_3, %scan3A_4 : i32
    %scan3A_6 = arith.constant 1 : i32
    scf.for %scan3A_8 = %scan3A_3 to %scan3A_5 step %scan3A_6  : i32 {
      %mul3A_9 = arith.constant 16 : i32
      %mul3A_10 = arith.muli %scan3A_8, %mul3A_9 : i32
      %add3A_11 = arith.addi %mul3A_2, %mul3A_10 : i32
      %mul3A_12 = arith.constant 1000 : i32
      %mul3A_13 = arith.muli %add3A_11, %mul3A_12 : i32
      "tpu.region"() ({
        %run_scoped3A = tpu.sem_alloc : memref<!tpu.dma_semaphore, #tpu.memory_space<semaphore_mem>>
        %dma_start3A = tpu.memref_slice %arg2[%mul3A_13] : memref<16384000xf32, #tpu.memory_space<hbm>> -> memref<16000xf32, #tpu.memory_space<hbm>>
        %dma_start3A_28 = tpu.memref_slice %arg2[%mul3A_13] : memref<16384000xf32, #tpu.memory_space<hbm>> -> memref<16000xf32, #tpu.memory_space<hbm>>
        tpu.enqueue_dma source(%dma_start3A_28 : memref<16000xf32, #tpu.memory_space<hbm>>) target(%arg7 : memref<16000xf32, #tpu.memory_space<vmem>>) target_semaphore(%run_scoped3A : memref<!tpu.dma_semaphore, #tpu.memory_space<semaphore_mem>>)
        %dma_wait3A = tpu.memref_slice %arg2[%mul3A_13] : memref<16384000xf32, #tpu.memory_space<hbm>> -> memref<16000xf32, #tpu.memory_space<hbm>>
        %dma_wait3A_29 = tpu.memref_slice %arg2[%mul3A_13] : memref<16384000xf32, #tpu.memory_space<hbm>> -> memref<16000xf32, #tpu.memory_space<hbm>>
        tpu.wait_dma2 semaphore(%run_scoped3A : memref<!tpu.dma_semaphore, #tpu.memory_space<semaphore_mem>>) src(%dma_wait3A_29 : memref<16000xf32, #tpu.memory_space<hbm>>) dst(%arg7 : memref<16000xf32, #tpu.memory_space<vmem>>)
        tpu.yield
      }) : () -> ()
      %mul3A_14 = arith.constant 1000 : i32
      %mul3A_15 = arith.muli %add3A_11, %mul3A_14 : i32
      "tpu.region"() ({
        %run_scoped3A = tpu.sem_alloc : memref<!tpu.dma_semaphore, #tpu.memory_space<semaphore_mem>>
        %dma_start3A = tpu.memref_slice %arg5[%mul3A_15] : memref<16384000xf32, #tpu.memory_space<hbm>> -> memref<16000xf32, #tpu.memory_space<hbm>>
        %dma_start3A_28 = tpu.memref_slice %arg5[%mul3A_15] : memref<16384000xf32, #tpu.memory_space<hbm>> -> memref<16000xf32, #tpu.memory_space<hbm>>
        tpu.enqueue_dma source(%dma_start3A_28 : memref<16000xf32, #tpu.memory_space<hbm>>) target(%arg8 : memref<16000xf32, #tpu.memory_space<vmem>>) target_semaphore(%run_scoped3A : memref<!tpu.dma_semaphore, #tpu.memory_space<semaphore_mem>>)
        %dma_wait3A = tpu.memref_slice %arg5[%mul3A_15] : memref<16384000xf32, #tpu.memory_space<hbm>> -> memref<16000xf32, #tpu.memory_space<hbm>>
        %dma_wait3A_29 = tpu.memref_slice %arg5[%mul3A_15] : memref<16384000xf32, #tpu.memory_space<hbm>> -> memref<16000xf32, #tpu.memory_space<hbm>>
        tpu.wait_dma2 semaphore(%run_scoped3A : memref<!tpu.dma_semaphore, #tpu.memory_space<semaphore_mem>>) src(%dma_wait3A_29 : memref<16000xf32, #tpu.memory_space<hbm>>) dst(%arg8 : memref<16000xf32, #tpu.memory_space<vmem>>)
        tpu.yield
      }) : () -> ()
      %mul3A_16 = arith.constant 200 : i32
      %mul3A_17 = arith.muli %add3A_11, %mul3A_16 : i32
      "tpu.region"() ({
        %run_scoped3A = tpu.sem_alloc : memref<!tpu.dma_semaphore, #tpu.memory_space<semaphore_mem>>
        %dma_start3A = tpu.memref_slice %arg3[%mul3A_17] : memref<3276800xi32, #tpu.memory_space<hbm>> -> memref<3200xi32, #tpu.memory_space<hbm>>
        %dma_start3A_28 = tpu.memref_slice %arg3[%mul3A_17] : memref<3276800xi32, #tpu.memory_space<hbm>> -> memref<3200xi32, #tpu.memory_space<hbm>>
        tpu.enqueue_dma source(%dma_start3A_28 : memref<3200xi32, #tpu.memory_space<hbm>>) target(%arg9 : memref<3200xi32, #tpu.memory_space<vmem>>) target_semaphore(%run_scoped3A : memref<!tpu.dma_semaphore, #tpu.memory_space<semaphore_mem>>)
        %dma_wait3A = tpu.memref_slice %arg3[%mul3A_17] : memref<3276800xi32, #tpu.memory_space<hbm>> -> memref<3200xi32, #tpu.memory_space<hbm>>
        %dma_wait3A_29 = tpu.memref_slice %arg3[%mul3A_17] : memref<3276800xi32, #tpu.memory_space<hbm>> -> memref<3200xi32, #tpu.memory_space<hbm>>
        tpu.wait_dma2 semaphore(%run_scoped3A : memref<!tpu.dma_semaphore, #tpu.memory_space<semaphore_mem>>) src(%dma_wait3A_29 : memref<3200xi32, #tpu.memory_space<hbm>>) dst(%arg9 : memref<3200xi32, #tpu.memory_space<vmem>>)
        tpu.yield
      }) : () -> ()
      %mul3A_18 = arith.constant 200 : i32
      %mul3A_19 = arith.muli %add3A_11, %mul3A_18 : i32
      "tpu.region"() ({
        %run_scoped3A = tpu.sem_alloc : memref<!tpu.dma_semaphore, #tpu.memory_space<semaphore_mem>>
        %dma_start3A = tpu.memref_slice %arg4[%mul3A_19] : memref<3276800xf32, #tpu.memory_space<hbm>> -> memref<3200xf32, #tpu.memory_space<hbm>>
        %dma_start3A_28 = tpu.memref_slice %arg4[%mul3A_19] : memref<3276800xf32, #tpu.memory_space<hbm>> -> memref<3200xf32, #tpu.memory_space<hbm>>
        tpu.enqueue_dma source(%dma_start3A_28 : memref<3200xf32, #tpu.memory_space<hbm>>) target(%arg10 : memref<3200xf32, #tpu.memory_space<vmem>>) target_semaphore(%run_scoped3A : memref<!tpu.dma_semaphore, #tpu.memory_space<semaphore_mem>>)
        %dma_wait3A = tpu.memref_slice %arg4[%mul3A_19] : memref<3276800xf32, #tpu.memory_space<hbm>> -> memref<3200xf32, #tpu.memory_space<hbm>>
        %dma_wait3A_29 = tpu.memref_slice %arg4[%mul3A_19] : memref<3276800xf32, #tpu.memory_space<hbm>> -> memref<3200xf32, #tpu.memory_space<hbm>>
        tpu.wait_dma2 semaphore(%run_scoped3A : memref<!tpu.dma_semaphore, #tpu.memory_space<semaphore_mem>>) src(%dma_wait3A_29 : memref<3200xf32, #tpu.memory_space<hbm>>) dst(%arg10 : memref<3200xf32, #tpu.memory_space<vmem>>)
        tpu.yield
      }) : () -> ()
      %scan3A_20 = arith.constant 0 : i32
      %scan3A_21 = arith.constant 0 : i32
      %scan3A_22 = arith.constant 16 : i32
      %scan3A_23 = arith.addi %scan3A_21, %scan3A_22 : i32
      %scan3A_24 = arith.constant 1 : i32
      scf.for %scan3A_28 = %scan3A_21 to %scan3A_23 step %scan3A_24  : i32 {
        %mul3A_29 = arith.constant 200 : i32
        %mul3A_30 = arith.muli %scan3A_28, %mul3A_29 : i32
        %mul3A_31 = arith.constant 1000 : i32
        %mul3A_32 = arith.muli %scan3A_28, %mul3A_31 : i32
        %add3A_33 = arith.constant 0 : i32
        %add3A_34 = arith.addi %mul3A_30, %add3A_33 : i32
        %get3A = arith.index_cast %add3A_34 : i32 to index
        %get3A_35 = tpu.vector_load %arg9[%get3A] {strides = array<i32>} : memref<3200xi32, #tpu.memory_space<vmem>>, vector<16xi32>,
        %add3A_36 = arith.constant 0 : i32
        %add3A_37 = arith.addi %mul3A_30, %add3A_36 : i32
        %get3A_38 = arith.index_cast %add3A_37 : i32 to index
        %get3A_39 = tpu.vector_load %arg10[%get3A_38] {strides = array<i32>} : memref<3200xf32, #tpu.memory_space<vmem>>, vector<16xf32>,
        %add3A_40 = vector.broadcast %mul3A_32 : i32 to vector<16xi32>
        %add3A_41 = arith.addi %get3A_35, %add3A_40 : vector<16xi32>
        %gather3A = tpu.vector_load_idx %arg8[%add3A_41] : memref<16000xf32, #tpu.memory_space<vmem>>[vector<16xi32>], vector<16xf32>,
        %convert_element_type3A = arith.fptosi %gather3A : vector<16xf32> to vector<16xi32>
        %add3A_42 = arith.constant 0 : i32
        %add3A_43 = vector.broadcast %add3A_42 : i32 to vector<16xi32>
        %add3A_44 = arith.addi %iota3A, %add3A_43 : vector<16xi32>
        %eq3A = arith.cmpi eq, %convert_element_type3A, %add3A_44 : vector<16xi32>
        tpu.vector_store_idx %arg7[%add3A_41], %get3A_39 masked %eq3A : memref<16000xf32, #tpu.memory_space<vmem>>[vector<16xi32>], vector<16xf32>, vector<16xi1>
        %add3A_45 = arith.constant 16 : i32
        %add3A_46 = arith.addi %mul3A_30, %add3A_45 : i32
        %get3A_47 = arith.index_cast %add3A_46 : i32 to index
        %get3A_48 = tpu.vector_load %arg9[%get3A_47] {strides = array<i32>} : memref<3200xi32, #tpu.memory_space<vmem>>, vector<16xi32>,
        %add3A_49 = arith.constant 16 : i32
        %add3A_50 = arith.addi %mul3A_30, %add3A_49 : i32
        %get3A_51 = arith.index_cast %add3A_50 : i32 to index
        %get3A_52 = tpu.vector_load %arg10[%get3A_51] {strides = array<i32>} : memref<3200xf32, #tpu.memory_space<vmem>>, vector<16xf32>,
        %add3A_53 = vector.broadcast %mul3A_32 : i32 to vector<16xi32>
        %add3A_54 = arith.addi %get3A_48, %add3A_53 : vector<16xi32>
        %gather3A_55 = tpu.vector_load_idx %arg8[%add3A_54] : memref<16000xf32, #tpu.memory_space<vmem>>[vector<16xi32>], vector<16xf32>,
        %convert_element_type3A_56 = arith.fptosi %gather3A_55 : vector<16xf32> to vector<16xi32>
        %add3A_57 = arith.constant 16 : i32
        %add3A_58 = vector.broadcast %add3A_57 : i32 to vector<16xi32>
        %add3A_59 = arith.addi %iota3A, %add3A_58 : vector<16xi32>
        %eq3A_60 = arith.cmpi eq, %convert_element_type3A_56, %add3A_59 : vector<16xi32>
        tpu.vector_store_idx %arg7[%add3A_54], %get3A_52 masked %eq3A_60 : memref<16000xf32, #tpu.memory_space<vmem>>[vector<16xi32>], vector<16xf32>, vector<16xi1>
        %add3A_61 = arith.constant 32 : i32
        %add3A_62 = arith.addi %mul3A_30, %add3A_61 : i32
        %get3A_63 = arith.index_cast %add3A_62 : i32 to index
        %get3A_64 = tpu.vector_load %arg9[%get3A_63] {strides = array<i32>} : memref<3200xi32, #tpu.memory_space<vmem>>, vector<16xi32>,
        %add3A_65 = arith.constant 32 : i32
        %add3A_66 = arith.addi %mul3A_30, %add3A_65 : i32
        %get3A_67 = arith.index_cast %add3A_66 : i32 to index
        %get3A_68 = tpu.vector_load %arg10[%get3A_67] {strides = array<i32>} : memref<3200xf32, #tpu.memory_space<vmem>>, vector<16xf32>,
        %add3A_69 = vector.broadcast %mul3A_32 : i32 to vector<16xi32>
        %add3A_70 = arith.addi %get3A_64, %add3A_69 : vector<16xi32>
        %gather3A_71 = tpu.vector_load_idx %arg8[%add3A_70] : memref<16000xf32, #tpu.memory_space<vmem>>[vector<16xi32>], vector<16xf32>,
        %convert_element_type3A_72 = arith.fptosi %gather3A_71 : vector<16xf32> to vector<16xi32>
        %add3A_73 = arith.constant 32 : i32
        %add3A_74 = vector.broadcast %add3A_73 : i32 to vector<16xi32>
        %add3A_75 = arith.addi %iota3A, %add3A_74 : vector<16xi32>
        %eq3A_76 = arith.cmpi eq, %convert_element_type3A_72, %add3A_75 : vector<16xi32>
        tpu.vector_store_idx %arg7[%add3A_70], %get3A_68 masked %eq3A_76 : memref<16000xf32, #tpu.memory_space<vmem>>[vector<16xi32>], vector<16xf32>, vector<16xi1>
        %add3A_77 = arith.constant 48 : i32
        %add3A_78 = arith.addi %mul3A_30, %add3A_77 : i32
        %get3A_79 = arith.index_cast %add3A_78 : i32 to index
        %get3A_80 = tpu.vector_load %arg9[%get3A_79] {strides = array<i32>} : memref<3200xi32, #tpu.memory_space<vmem>>, vector<16xi32>,
        %add3A_81 = arith.constant 48 : i32
        %add3A_82 = arith.addi %mul3A_30, %add3A_81 : i32
        %get3A_83 = arith.index_cast %add3A_82 : i32 to index
        %get3A_84 = tpu.vector_load %arg10[%get3A_83] {strides = array<i32>} : memref<3200xf32, #tpu.memory_space<vmem>>, vector<16xf32>,
        %add3A_85 = vector.broadcast %mul3A_32 : i32 to vector<16xi32>
        %add3A_86 = arith.addi %get3A_80, %add3A_85 : vector<16xi32>
        %gather3A_87 = tpu.vector_load_idx %arg8[%add3A_86] : memref<16000xf32, #tpu.memory_space<vmem>>[vector<16xi32>], vector<16xf32>,
        %convert_element_type3A_88 = arith.fptosi %gather3A_87 : vector<16xf32> to vector<16xi32>
        %add3A_89 = arith.constant 48 : i32
        %add3A_90 = vector.broadcast %add3A_89 : i32 to vector<16xi32>
        %add3A_91 = arith.addi %iota3A, %add3A_90 : vector<16xi32>
        %eq3A_92 = arith.cmpi eq, %convert_element_type3A_88, %add3A_91 : vector<16xi32>
        tpu.vector_store_idx %arg7[%add3A_86], %get3A_84 masked %eq3A_92 : memref<16000xf32, #tpu.memory_space<vmem>>[vector<16xi32>], vector<16xf32>, vector<16xi1>
        %add3A_93 = arith.constant 64 : i32
        %add3A_94 = arith.addi %mul3A_30, %add3A_93 : i32
        %get3A_95 = arith.index_cast %add3A_94 : i32 to index
        %get3A_96 = tpu.vector_load %arg9[%get3A_95] {strides = array<i32>} : memref<3200xi32, #tpu.memory_space<vmem>>, vector<16xi32>,
        %add3A_97 = arith.constant 64 : i32
        %add3A_98 = arith.addi %mul3A_30, %add3A_97 : i32
        %get3A_99 = arith.index_cast %add3A_98 : i32 to index
        %get3A_100 = tpu.vector_load %arg10[%get3A_99] {strides = array<i32>} : memref<3200xf32, #tpu.memory_space<vmem>>, vector<16xf32>,
        %add3A_101 = vector.broadcast %mul3A_32 : i32 to vector<16xi32>
        %add3A_102 = arith.addi %get3A_96, %add3A_101 : vector<16xi32>
        %gather3A_103 = tpu.vector_load_idx %arg8[%add3A_102] : memref<16000xf32, #tpu.memory_space<vmem>>[vector<16xi32>], vector<16xf32>,
        %convert_element_type3A_104 = arith.fptosi %gather3A_103 : vector<16xf32> to vector<16xi32>
        %add3A_105 = arith.constant 64 : i32
        %add3A_106 = vector.broadcast %add3A_105 : i32 to vector<16xi32>
        %add3A_107 = arith.addi %iota3A, %add3A_106 : vector<16xi32>
        %eq3A_108 = arith.cmpi eq, %convert_element_type3A_104, %add3A_107 : vector<16xi32>
        tpu.vector_store_idx %arg7[%add3A_102], %get3A_100 masked %eq3A_108 : memref<16000xf32, #tpu.memory_space<vmem>>[vector<16xi32>], vector<16xf32>, vector<16xi1>
        %add3A_109 = arith.constant 80 : i32
        %add3A_110 = arith.addi %mul3A_30, %add3A_109 : i32
        %get3A_111 = arith.index_cast %add3A_110 : i32 to index
        %get3A_112 = tpu.vector_load %arg9[%get3A_111] {strides = array<i32>} : memref<3200xi32, #tpu.memory_space<vmem>>, vector<16xi32>,
        %add3A_113 = arith.constant 80 : i32
        %add3A_114 = arith.addi %mul3A_30, %add3A_113 : i32
        %get3A_115 = arith.index_cast %add3A_114 : i32 to index
        %get3A_116 = tpu.vector_load %arg10[%get3A_115] {strides = array<i32>} : memref<3200xf32, #tpu.memory_space<vmem>>, vector<16xf32>,
        %add3A_117 = vector.broadcast %mul3A_32 : i32 to vector<16xi32>
        %add3A_118 = arith.addi %get3A_112, %add3A_117 : vector<16xi32>
        %gather3A_119 = tpu.vector_load_idx %arg8[%add3A_118] : memref<16000xf32, #tpu.memory_space<vmem>>[vector<16xi32>], vector<16xf32>,
        %convert_element_type3A_120 = arith.fptosi %gather3A_119 : vector<16xf32> to vector<16xi32>
        %add3A_121 = arith.constant 80 : i32
        %add3A_122 = vector.broadcast %add3A_121 : i32 to vector<16xi32>
        %add3A_123 = arith.addi %iota3A, %add3A_122 : vector<16xi32>
        %eq3A_124 = arith.cmpi eq, %convert_element_type3A_120, %add3A_123 : vector<16xi32>
        tpu.vector_store_idx %arg7[%add3A_118], %get3A_116 masked %eq3A_124 : memref<16000xf32, #tpu.memory_space<vmem>>[vector<16xi32>], vector<16xf32>, vector<16xi1>
        %add3A_125 = arith.constant 96 : i32
        %add3A_126 = arith.addi %mul3A_30, %add3A_125 : i32
        %get3A_127 = arith.index_cast %add3A_126 : i32 to index
        %get3A_128 = tpu.vector_load %arg9[%get3A_127] {strides = array<i32>} : memref<3200xi32, #tpu.memory_space<vmem>>, vector<16xi32>,
        %add3A_129 = arith.constant 96 : i32
        %add3A_130 = arith.addi %mul3A_30, %add3A_129 : i32
        %get3A_131 = arith.index_cast %add3A_130 : i32 to index
        %get3A_132 = tpu.vector_load %arg10[%get3A_131] {strides = array<i32>} : memref<3200xf32, #tpu.memory_space<vmem>>, vector<16xf32>,
        %add3A_133 = vector.broadcast %mul3A_32 : i32 to vector<16xi32>
        %add3A_134 = arith.addi %get3A_128, %add3A_133 : vector<16xi32>
        %gather3A_135 = tpu.vector_load_idx %arg8[%add3A_134] : memref<16000xf32, #tpu.memory_space<vmem>>[vector<16xi32>], vector<16xf32>,
        %convert_element_type3A_136 = arith.fptosi %gather3A_135 : vector<16xf32> to vector<16xi32>
        %add3A_137 = arith.constant 96 : i32
        %add3A_138 = vector.broadcast %add3A_137 : i32 to vector<16xi32>
        %add3A_139 = arith.addi %iota3A, %add3A_138 : vector<16xi32>
        %eq3A_140 = arith.cmpi eq, %convert_element_type3A_136, %add3A_139 : vector<16xi32>
        tpu.vector_store_idx %arg7[%add3A_134], %get3A_132 masked %eq3A_140 : memref<16000xf32, #tpu.memory_space<vmem>>[vector<16xi32>], vector<16xf32>, vector<16xi1>
        %add3A_141 = arith.constant 112 : i32
        %add3A_142 = arith.addi %mul3A_30, %add3A_141 : i32
        %get3A_143 = arith.index_cast %add3A_142 : i32 to index
        %get3A_144 = tpu.vector_load %arg9[%get3A_143] {strides = array<i32>} : memref<3200xi32, #tpu.memory_space<vmem>>, vector<16xi32>,
        %add3A_145 = arith.constant 112 : i32
        %add3A_146 = arith.addi %mul3A_30, %add3A_145 : i32
        %get3A_147 = arith.index_cast %add3A_146 : i32 to index
        %get3A_148 = tpu.vector_load %arg10[%get3A_147] {strides = array<i32>} : memref<3200xf32, #tpu.memory_space<vmem>>, vector<16xf32>,
        %add3A_149 = vector.broadcast %mul3A_32 : i32 to vector<16xi32>
        %add3A_150 = arith.addi %get3A_144, %add3A_149 : vector<16xi32>
        %gather3A_151 = tpu.vector_load_idx %arg8[%add3A_150] : memref<16000xf32, #tpu.memory_space<vmem>>[vector<16xi32>], vector<16xf32>,
        %convert_element_type3A_152 = arith.fptosi %gather3A_151 : vector<16xf32> to vector<16xi32>
        %add3A_153 = arith.constant 112 : i32
        %add3A_154 = vector.broadcast %add3A_153 : i32 to vector<16xi32>
        %add3A_155 = arith.addi %iota3A, %add3A_154 : vector<16xi32>
        %eq3A_156 = arith.cmpi eq, %convert_element_type3A_152, %add3A_155 : vector<16xi32>
        tpu.vector_store_idx %arg7[%add3A_150], %get3A_148 masked %eq3A_156 : memref<16000xf32, #tpu.memory_space<vmem>>[vector<16xi32>], vector<16xf32>, vector<16xi1>
        %add3A_157 = arith.constant 128 : i32
        %add3A_158 = arith.addi %mul3A_30, %add3A_157 : i32
        %get3A_159 = arith.index_cast %add3A_158 : i32 to index
        %get3A_160 = tpu.vector_load %arg9[%get3A_159] {strides = array<i32>} : memref<3200xi32, #tpu.memory_space<vmem>>, vector<16xi32>,
        %add3A_161 = arith.constant 128 : i32
        %add3A_162 = arith.addi %mul3A_30, %add3A_161 : i32
        %get3A_163 = arith.index_cast %add3A_162 : i32 to index
        %get3A_164 = tpu.vector_load %arg10[%get3A_163] {strides = array<i32>} : memref<3200xf32, #tpu.memory_space<vmem>>, vector<16xf32>,
        %add3A_165 = vector.broadcast %mul3A_32 : i32 to vector<16xi32>
        %add3A_166 = arith.addi %get3A_160, %add3A_165 : vector<16xi32>
        %gather3A_167 = tpu.vector_load_idx %arg8[%add3A_166] : memref<16000xf32, #tpu.memory_space<vmem>>[vector<16xi32>], vector<16xf32>,
        %convert_element_type3A_168 = arith.fptosi %gather3A_167 : vector<16xf32> to vector<16xi32>
        %add3A_169 = arith.constant 128 : i32
        %add3A_170 = vector.broadcast %add3A_169 : i32 to vector<16xi32>
        %add3A_171 = arith.addi %iota3A, %add3A_170 : vector<16xi32>
        %eq3A_172 = arith.cmpi eq, %convert_element_type3A_168, %add3A_171 : vector<16xi32>
        tpu.vector_store_idx %arg7[%add3A_166], %get3A_164 masked %eq3A_172 : memref<16000xf32, #tpu.memory_space<vmem>>[vector<16xi32>], vector<16xf32>, vector<16xi1>
        %add3A_173 = arith.constant 144 : i32
        %add3A_174 = arith.addi %mul3A_30, %add3A_173 : i32
        %get3A_175 = arith.index_cast %add3A_174 : i32 to index
        %get3A_176 = tpu.vector_load %arg9[%get3A_175] {strides = array<i32>} : memref<3200xi32, #tpu.memory_space<vmem>>, vector<16xi32>,
        %add3A_177 = arith.constant 144 : i32
        %add3A_178 = arith.addi %mul3A_30, %add3A_177 : i32
        %get3A_179 = arith.index_cast %add3A_178 : i32 to index
        %get3A_180 = tpu.vector_load %arg10[%get3A_179] {strides = array<i32>} : memref<3200xf32, #tpu.memory_space<vmem>>, vector<16xf32>,
        %add3A_181 = vector.broadcast %mul3A_32 : i32 to vector<16xi32>
        %add3A_182 = arith.addi %get3A_176, %add3A_181 : vector<16xi32>
        %gather3A_183 = tpu.vector_load_idx %arg8[%add3A_182] : memref<16000xf32, #tpu.memory_space<vmem>>[vector<16xi32>], vector<16xf32>,
        %convert_element_type3A_184 = arith.fptosi %gather3A_183 : vector<16xf32> to vector<16xi32>
        %add3A_185 = arith.constant 144 : i32
        %add3A_186 = vector.broadcast %add3A_185 : i32 to vector<16xi32>
        %add3A_187 = arith.addi %iota3A, %add3A_186 : vector<16xi32>
        %eq3A_188 = arith.cmpi eq, %convert_element_type3A_184, %add3A_187 : vector<16xi32>
        tpu.vector_store_idx %arg7[%add3A_182], %get3A_180 masked %eq3A_188 : memref<16000xf32, #tpu.memory_space<vmem>>[vector<16xi32>], vector<16xf32>, vector<16xi1>
        %add3A_189 = arith.constant 160 : i32
        %add3A_190 = arith.addi %mul3A_30, %add3A_189 : i32
        %get3A_191 = arith.index_cast %add3A_190 : i32 to index
        %get3A_192 = tpu.vector_load %arg9[%get3A_191] {strides = array<i32>} : memref<3200xi32, #tpu.memory_space<vmem>>, vector<16xi32>,
        %add3A_193 = arith.constant 160 : i32
        %add3A_194 = arith.addi %mul3A_30, %add3A_193 : i32
        %get3A_195 = arith.index_cast %add3A_194 : i32 to index
        %get3A_196 = tpu.vector_load %arg10[%get3A_195] {strides = array<i32>} : memref<3200xf32, #tpu.memory_space<vmem>>, vector<16xf32>,
        %add3A_197 = vector.broadcast %mul3A_32 : i32 to vector<16xi32>
        %add3A_198 = arith.addi %get3A_192, %add3A_197 : vector<16xi32>
        %gather3A_199 = tpu.vector_load_idx %arg8[%add3A_198] : memref<16000xf32, #tpu.memory_space<vmem>>[vector<16xi32>], vector<16xf32>,
        %convert_element_type3A_200 = arith.fptosi %gather3A_199 : vector<16xf32> to vector<16xi32>
        %add3A_201 = arith.constant 160 : i32
        %add3A_202 = vector.broadcast %add3A_201 : i32 to vector<16xi32>
        %add3A_203 = arith.addi %iota3A, %add3A_202 : vector<16xi32>
        %eq3A_204 = arith.cmpi eq, %convert_element_type3A_200, %add3A_203 : vector<16xi32>
        tpu.vector_store_idx %arg7[%add3A_198], %get3A_196 masked %eq3A_204 : memref<16000xf32, #tpu.memory_space<vmem>>[vector<16xi32>], vector<16xf32>, vector<16xi1>
        %add3A_205 = arith.constant 176 : i32
        %add3A_206 = arith.addi %mul3A_30, %add3A_205 : i32
        %get3A_207 = arith.index_cast %add3A_206 : i32 to index
        %get3A_208 = tpu.vector_load %arg9[%get3A_207] {strides = array<i32>} : memref<3200xi32, #tpu.memory_space<vmem>>, vector<16xi32>,
        %add3A_209 = arith.constant 176 : i32
        %add3A_210 = arith.addi %mul3A_30, %add3A_209 : i32
        %get3A_211 = arith.index_cast %add3A_210 : i32 to index
        %get3A_212 = tpu.vector_load %arg10[%get3A_211] {strides = array<i32>} : memref<3200xf32, #tpu.memory_space<vmem>>, vector<16xf32>,
        %add3A_213 = vector.broadcast %mul3A_32 : i32 to vector<16xi32>
        %add3A_214 = arith.addi %get3A_208, %add3A_213 : vector<16xi32>
        %gather3A_215 = tpu.vector_load_idx %arg8[%add3A_214] : memref<16000xf32, #tpu.memory_space<vmem>>[vector<16xi32>], vector<16xf32>,
        %convert_element_type3A_216 = arith.fptosi %gather3A_215 : vector<16xf32> to vector<16xi32>
        %add3A_217 = arith.constant 176 : i32
        %add3A_218 = vector.broadcast %add3A_217 : i32 to vector<16xi32>
        %add3A_219 = arith.addi %iota3A, %add3A_218 : vector<16xi32>
        %eq3A_220 = arith.cmpi eq, %convert_element_type3A_216, %add3A_219 : vector<16xi32>
        tpu.vector_store_idx %arg7[%add3A_214], %get3A_212 masked %eq3A_220 : memref<16000xf32, #tpu.memory_space<vmem>>[vector<16xi32>], vector<16xf32>, vector<16xi1>
        %add3A_221 = arith.constant 184 : i32
        %add3A_222 = arith.addi %mul3A_30, %add3A_221 : i32
        %get3A_223 = arith.index_cast %add3A_222 : i32 to index
        %get3A_224 = tpu.vector_load %arg9[%get3A_223] {strides = array<i32>} : memref<3200xi32, #tpu.memory_space<vmem>>, vector<16xi32>,
        %add3A_225 = arith.constant 184 : i32
        %add3A_226 = arith.addi %mul3A_30, %add3A_225 : i32
        %get3A_227 = arith.index_cast %add3A_226 : i32 to index
        %get3A_228 = tpu.vector_load %arg10[%get3A_227] {strides = array<i32>} : memref<3200xf32, #tpu.memory_space<vmem>>, vector<16xf32>,
        %add3A_229 = vector.broadcast %mul3A_32 : i32 to vector<16xi32>
        %add3A_230 = arith.addi %get3A_224, %add3A_229 : vector<16xi32>
        %gather3A_231 = tpu.vector_load_idx %arg8[%add3A_230] : memref<16000xf32, #tpu.memory_space<vmem>>[vector<16xi32>], vector<16xf32>,
        %convert_element_type3A_232 = arith.fptosi %gather3A_231 : vector<16xf32> to vector<16xi32>
        %add3A_233 = arith.constant 184 : i32
        %add3A_234 = vector.broadcast %add3A_233 : i32 to vector<16xi32>
        %add3A_235 = arith.addi %iota3A, %add3A_234 : vector<16xi32>
        %eq3A_236 = arith.cmpi eq, %convert_element_type3A_232, %add3A_235 : vector<16xi32>
        tpu.vector_store_idx %arg7[%add3A_230], %get3A_228 masked %eq3A_236 : memref<16000xf32, #tpu.memory_space<vmem>>[vector<16xi32>], vector<16xf32>, vector<16xi1>
      }
      %scan3A_25 = arith.constant 16 : i32
      %mul3A_26 = arith.constant 1000 : i32
      %mul3A_27 = arith.muli %add3A_11, %mul3A_26 : i32
      "tpu.region"() ({
        %run_scoped3A = tpu.sem_alloc : memref<!tpu.dma_semaphore, #tpu.memory_space<semaphore_mem>>
        %dma_start3A = tpu.memref_slice %arg6[%mul3A_27] : memref<16384000xf32, #tpu.memory_space<hbm>> -> memref<16000xf32, #tpu.memory_space<hbm>>
        %dma_start3A_28 = tpu.memref_slice %arg6[%mul3A_27] : memref<16384000xf32, #tpu.memory_space<hbm>> -> memref<16000xf32, #tpu.memory_space<hbm>>
        tpu.enqueue_dma source(%arg7 : memref<16000xf32, #tpu.memory_space<vmem>>) target(%dma_start3A_28 : memref<16000xf32, #tpu.memory_space<hbm>>) target_semaphore(%run_scoped3A : memref<!tpu.dma_semaphore, #tpu.memory_space<semaphore_mem>>)
        %dma_wait3A = tpu.memref_slice %arg6[%mul3A_27] : memref<16384000xf32, #tpu.memory_space<hbm>> -> memref<16000xf32, #tpu.memory_space<hbm>>
        %dma_wait3A_29 = tpu.memref_slice %arg6[%mul3A_27] : memref<16384000xf32, #tpu.memory_space<hbm>> -> memref<16000xf32, #tpu.memory_space<hbm>>
        tpu.wait_dma2 semaphore(%run_scoped3A : memref<!tpu.dma_semaphore, #tpu.memory_space<semaphore_mem>>) src(%arg7 : memref<16000xf32, #tpu.memory_space<vmem>>) dst(%dma_wait3A_29 : memref<16000xf32, #tpu.memory_space<hbm>>)
        tpu.yield
      }) : () -> ()
    }
    %scan3A_7 = arith.constant 32 : i32
    return
  }
}

</mosaic_0001>

<sc_bundles>
// kernel: kernel.3.cloned.1.call-start
scs
__scs_entry_jumppad:
0x0: {  	(pc) =	sbr.rel $0x88, $3  }
0x1: {  	(tag) =	ssettag $0x0;
	lr =	simm.s32 $0x1  }
0x2: {  	[smem:$0x3F9E] =	sst lr;
	_ =	strace $0xD0000000  }
0x3: {  	_ = 	snop  }
0x4: {  	_ = 	snop  }
0x5: {  	_ = 	snop  }
0x6: {  	_ = 	snop  }
0x7: {  	_ = 	snop  }
__scs_overlays_trampoline_lowered:
0x8: {  	[smem:$0x3FAD] =	sst s0  }
0x9: {  	[smem:$0x3FAE] =	sst s1  }
0xa: {  	[smem:$0x3FAF] =	sst s2  }
0xb: {  	[smem:$0x3FB0] =	sst s3  }
0xc: {  	[smem:$0x3FB1] =	sst s4  }
0xd: {  	[smem:$0x3FB2] =	sst s5  }
0xe: {  	[smem:$0x3FB3] =	sst s6  }
0xf: {  	[smem:$0x3FB4] =	sst s7  }
0x10: {  	[smem:$0x3FB5] =	sst s8  }
0x11: {  	[smem:$0x3FB6] =	sst s9;
	s0 =	simm.s32 @!p0 $0x0  }
0x12: {  	s1 =	sld [smem:$0x3F9C];
	s0 =	simm.s32 @p0 $0x1  }
0x13: {  	[smem:$0x3FB7] =	sst s0;
	s0 =	simm.s32 @!p1 $0x0  }
0x14: {  	s2 =	sld [smem:$0x3F9B];
	s0 =	simm.s32 @p1 $0x1  }
0x15: {  	[smem:$0x3FB8] =	sst s0;
	s0 =	simm.s32 @!p2 $0x0  }
0x16: {  	s3 =	sld [smem:$0x3FDB];
	s0 =	simm.s32 @p2 $0x1  }
0x17: {  	s4 =	simm.s32 $0x1BF5;
	[smem:$0x3FBA] =	sst s0  }
0x18: {  	s0 =	sld [smem:$0x3F9D];
	_ =	swait.ge [sflag:s4], $0x0  }
0x19: {  	s7 =	sld [smem:$0x3F9E]  }
0x1a: {  	s8 =	sadd.s32 $0xFFFFE003, lr  }
0x1b: {  	s9 =	sadd.s32 $0xFFFFFEF7, lr;
	s5 =	simm.s32 $0xFFFFFFFF;
	p2 =	slt.u32 s8, $0xFFFFF086  }
0x1c: {  	p1 =	slt.u32 s9, $0xF7A;
	s5 =	simm.s32 @!p2 $0x0  }
0x1d: {  	s5 =	simm.s32 @p1 $0x1;
	p0 =	seq.s32 s7, s2  }
0x1e: {  	s7 =	smul.u32 @!p0 $0xF7A, s2;
	p2 =	seq.s32 @!p0 s5, $0x0  }
0x1f: {  	s9 =	smul.u32 $0xF7A, s1;
	s8 =	simm.s32 @!p0 $0x1BF5;
	p2 =	por !p2, p0  }
0x20: {  	[sflag:s8] =	ssyncset.s32 @!p0 $0xFFFFF086;
	s6 =	sadd.s32 @!p0 s3, s7;
	s7 =	simm.s32 @!p0 $0x108  }
0x21: {  	s3 =	sadd.s32 s3, s9;
	s6 =	sadd.s32 @!p0 $0x88, s6;
	s7 =	simm.s32 @p2 $0x1082  }
0x22: {  	[simem:s7], [sflag:s8] =	dma.local @!p0 [hbm:s6], $0xF7A  }
0x23: {  	s9 =	sor.u32 $0xD0000000, s2;
	s6 =	simm.s32 $0x108;
	_ =	swait.ge @!p0 [sflag:s8], $0x0  }
0x24: {  	s3 =	sadd.s32 $0x88, s3;
	s6 =	simm.s32 @!p1 $0x1082;
	[sflag:s4] =	ssyncset.s32 $0xFFFFF086  }
0x25: {  	[simem:s6], [sflag:s4] =	dma.local [hbm:s3], $0xF7A  }
0x26: {  	[smem:$0x3F9E] =	sst s1;
	(tag) =	ssettag s2;
	_ =	strace s9  }
0x27: {  	s1 =	sld [smem:$0x3FAE]  }
0x28: {  	s2 =	sld [smem:$0x3FAF]  }
0x29: {  	s4 =	sld [smem:$0x3FB1]  }
0x2a: {  	p0 =	seq.s32 s5, $0x0;
	s5 =	sld [smem:$0x3FB2]  }
0x2b: {  	s6 =	sld [smem:$0x3FB3]  }
0x2c: {  	s7 =	sld [smem:$0x3FB4]  }
0x2d: {  	s3 =	simm.s32 $0x108;
	s8 =	sld [smem:$0x3FB5]  }
0x2e: {  	s3 =	simm.s32 @!p0 $0x1082;
	s9 =	sld [smem:$0x3FB6]  }
0x2f: {  	lr =	sadd.s32 s0, s3;
	s0 =	sld [smem:$0x3FAD]  }
0x30: {  	s3 =	sld [smem:$0x3FB0]  }
0x31: {  	[smem:$0x3FB9] =	sst s10  }
0x32: {  	s10 =	sld [smem:$0x3FB7];
	_ =	sdelay $0x3  }
0x33: {  	p0 =	seq.s32 s10, $0x1;
	s10 =	sld [smem:$0x3FB9];
	_ =	sdelay $0x3  }
0x34: {  	[smem:$0x3FB9] =	sst s10  }
0x35: {  	s10 =	sld [smem:$0x3FB8];
	_ =	sdelay $0x3  }
0x36: {  	p1 =	seq.s32 s10, $0x1;
	s10 =	sld [smem:$0x3FB9];
	_ =	sdelay $0x3  }
0x37: {  	[smem:$0x3FB9] =	sst s10  }
0x38: {  	s10 =	sld [smem:$0x3FBA]  }
0x39: {  	_ = 	snop;
	(pc) =	sbr.ind lr, $3  }
0x3a: {  	_ = 	snop  }
0x3b: {  	_ = 	snop  }
0x3c: {  	p2 =	seq.s32 s10, $0x1;
	s10 =	sld [smem:$0x3FB9]  }
0x3d: {  	_ =	shalt  }
0x3e: {  	_ =	shalt  }
0x3f: {  	_ =	shalt  }
0x40: {  	_ =	shalt  }
0x41: {  	_ =	shalt  }
0x42: {  	_ =	shalt  }
0x43: {  	_ =	shalt  }
0x44: {  	_ =	shalt  }
0x45: {  	_ =	shalt  }
0x46: {  	_ =	shalt  }
0x47: {  	_ =	shalt  }
0x48: {  	_ =	shalt  }
0x49: {  	_ =	shalt  }
0x4a: {  	_ =	shalt  }
0x4b: {  	_ =	shalt  }
0x4c: {  	_ =	shalt  }
0x4d: {  	_ =	shalt  }
0x4e: {  	_ =	shalt  }
0x4f: {  	_ =	shalt  }
0x50: {  	_ =	shalt  }
0x51: {  	_ =	shalt  }
0x52: {  	_ =	shalt  }
0x53: {  	_ =	shalt  }
0x54: {  	_ =	shalt  }
0x55: {  	_ =	shalt  }
0x56: {  	_ =	shalt  }
0x57: {  	_ =	shalt  }
0x58: {  	_ =	shalt  }
0x59: {  	_ =	shalt  }
0x5a: {  	_ =	shalt  }
0x5b: {  	_ =	shalt  }
0x5c: {  	_ =	shalt  }
0x5d: {  	_ =	shalt  }
0x5e: {  	_ =	shalt  }
0x5f: {  	_ =	shalt  }
0x60: {  	_ =	shalt  }
0x61: {  	_ =	shalt  }
0x62: {  	_ =	shalt  }
0x63: {  	_ =	shalt  }
0x64: {  	_ =	shalt  }
0x65: {  	_ =	shalt  }
0x66: {  	_ =	shalt  }
0x67: {  	_ =	shalt  }
0x68: {  	_ =	shalt  }
0x69: {  	_ =	shalt  }
0x6a: {  	_ =	shalt  }
0x6b: {  	_ =	shalt  }
0x6c: {  	_ =	shalt  }
0x6d: {  	_ =	shalt  }
0x6e: {  	_ =	shalt  }
0x6f: {  	_ =	shalt  }
0x70: {  	_ =	shalt  }
0x71: {  	_ =	shalt  }
0x72: {  	_ =	shalt  }
0x73: {  	_ =	shalt  }
0x74: {  	_ =	shalt  }
0x75: {  	_ =	shalt  }
0x76: {  	_ =	shalt  }
0x77: {  	_ =	shalt  }
0x78: {  	_ =	shalt  }
0x79: {  	_ =	shalt  }
0x7a: {  	_ =	shalt  }
0x7b: {  	_ =	shalt  }
0x7c: {  	_ =	shalt  }
0x7d: {  	_ =	shalt  }
0x7e: {  	_ =	shalt  }
0x7f: {  	_ =	shalt  }
0x80: {  	_ =	shalt  }
0x81: {  	_ =	shalt  }
0x82: {  	_ =	shalt  }
0x83: {  	_ =	shalt  }
0x84: {  	_ =	shalt  }
0x85: {  	_ =	shalt  }
0x86: {  	_ =	shalt  }
0x87: {  	_ =	shalt  }
.Lfunc_end0:
.L_simem_size_0:
called_computation.3_lowered:
.L_overlay_start_0:
0x88: {  	s2 =	sld [smem:$0x3FD9]  }
0x89: {  	s3 =	sld [smem:$0x3FFE];
	_ =	sdelay $0x1  }
0x8a: {  	s1 =	srdreg.scid  }
0x8b: {  	s0 =	sand.u32 $0x1, s1  }
0x8c: {  	s17 =	sshll.u32 s0, $0xA;
	s2 =	sadd.s32 s3, s2  }
0x8d: {  	s2 =	sadd.s32 s2, s17  }
0x8e: {  	[smem:$0x3FC5] =	sst s2  }
0x8f: {  	_ = 	snop  }
0x90: {  	s2 =	sld [smem:$0x3FD0];
	(tm) =	ssettm $0x1  }
0x91: {  	s18 =	sld [smem:$0x3FFB];
	_ =	sdelay $0x3  }
0x92: {  	_ =	strace s18  }
0x93: {  	s3 =	sld [smem:$0x3FFC];
	_ =	sdelay $0x3  }
0x94: {  	_ =	strace s3  }
0x95: {  	s3 =	sld [smem:$0x3FFD];
	_ =	sdelay $0x3  }
0x96: {  	_ =	strace s3  }
0x97: {  	_ =	strace $0x8FFFFFFF  }
0x98: {  	s19 =	sld [smem:$0x3FDB];
	_ =	sdelay $0x1  }
0x99: {  	s4 =	simm.s32 $_scs_section_size  }
0x9a: {  	s5 =	simm.s32 $_size__tile_overlayer_lowered;
	s6 =	simm.s32 $_tile_overlayer_lowered  }
0x9b: {  	s22 =	simm.s32 $0x1BFF;
	s21 =	sshll.u32 s6, $0x1;
	s3 =	sadd.s32 s4, s19  }
0x9c: {  	s7 =	simm.s32 $0x0;
	s20 =	sshll.u32 s5, $0x1;
	s5 =	sadd.s32 s21, s3  }
0x9d: {  	[timem:s7], [sflag:s22] =	dma.local [hbm:s5], s20  }
0x9e: {  	_ =	swait.ge [sflag:s22], s20  }
0x9f: {  	s4 =	ssub.s32 $0x0, s20;
	[sflag:s22] =	ssyncset.done $0x0  }
0xa0: {  	[sflag:s22] =	ssyncadd.s32 s4;
	_ =	sdelay $0x1  }
0xa1: {  	s23 =	simm.s32 $0x1B8B  }
0xa2: {  	_ =	swait.ge [sflag:s23], $0x1  }
0xa3: {  	[sflag:s23] =	ssyncset.done $0x0  }
0xa4: {  	s25 =	simm.s32 $0x1B8E;
	s24 =	sld [smem:$0x3FFE];
	[sflag:s23] =	ssyncadd.s32 $0xFFFFFFFF  }
0xa5: {  	s26 =	simm.s32 $execute0_lowered;
	[smem:$0x3FD2] =	sst s25  }
0xa6: {  	s5 =	sshll.u32 s26, $0x1;
	_ =	strace $0x8000004C;
	[dreg:$0x1] =	wrdreg $0xFFFFFFFF  }
0xa7: {  	s28 =	simm.s32 $_size_execute0_lowered;
	s3 =	sadd.s32 s3, s5;
	[dreg:$0x0] =	wrdreg $0x0  }
0xa8: {  	s5 =	sshll.u32 s28, $0x1;
	[dreg:$0x2] =	wrdreg s3  }
0xa9: {  	[dreg:$0x3] =	wrdreg s5  }
0xaa: {  	[dreg:$0x4] =	wrdreg $0xC0  }
0xab: {  	_ =	task [dreg:s7], $0x5FFFF  }
0xac: {  	[dreg:$0x1] =	wrdreg $0xFFFFFFFF  }
0xad: {  	[dreg:$0x0] =	wrdreg $0x60  }
0xae: {  	[dreg:$0x2] =	wrdreg s2  }
0xaf: {  	[dreg:$0x3] =	wrdreg s24  }
0xb0: {  	[dreg:$0x4] =	wrdreg $0x9  }
0xb1: {  	_ =	task.clear_ibuf [dreg:s7], $0x5FFFF;
	_ =	strace $0x9000004C  }
0xb2: {  	s29 =	simm.s32 $0x9;
	_ =	strace $0x8000004E  }
0xb3: {  	_ =	swait.ge [sflag:s29], $0x1  }
0xb4: {  	[sflag:s29] =	ssyncadd.s32 $0xFFFFFFFF  }
0xb5: {  	_ =	strace $0x9000004E  }
0xb6: {  	_ =	sfence  }
0xb7: {  	s30 =	sld [smem:$0x0];
	_ =	sdelay $0x2  }
0xb8: {  	s31 =	sshll.u32 s1, $0xD;
	s1 =	sshrl.u32 s1, $0x2  }
0xb9: {  	s3 =	sand.u32 $0x4000, s31;
	s1 =	sadd.s32 s1, s30  }
0xba: {  	s0 =	sor.u32 s3, s0;
	s1 =	sshll.u32 s1, $0x11  }
0xbb: {  	s0 =	sor.u32 s1, s0  }
0xbc: {  	s0 =	sadd.s32 $0x8F2B, s0  }
0xbd: {  	[sflag:s0] =	ssyncadd.remote.s32 $0x1  }
0xbe: {  	_ =	sfence.sel $0xFFFF  }
0xbf: {  	[dreg:$0x0] =	wrdreg $0xFFFFFFFF;
	(pc) =	sbr.abs _section_cstart, $3  }
0xc0: {  	[dreg:$0x1] =	wrdreg $0xFFFFFFFF  }
0xc1: {  	_ =	task.clear_ibuf [dreg:s7], $0x2FFFF;
	_ =	strace $0x9FFFFFFF  }
0xc2: {  	(tm) =	ssettm $0x7FFFFFFF  }
0xc3: {  	_ =	shalt  }
tec
execute0_lowered:
.L_overlay_start_1:
0x0: {  	(tag) =	ssettag $0x1  }
0x1: {  	s1 =	rddreg [dreg:$0x0]  }
0x2: {  	s7 =	rddreg [dreg:$0x1]  }
0x3: {  	s0 =	rddreg [dreg:$0x2];
	s2 =	simm.s32 $0x0  }
0x4: {  	s3 =	srdreg.scid;
	s12 =	simm.s32 $0x7D00;
	s13 =	simm.s32 $0x8980  }
0x5: {  	s14 =	simm.s32 $0x0;
	[smem:$0x7FF] =	sst s2;
	s4 =	sadd.s32 $0x80400, s7  }
0x6: {  	v0 =	vlaneseq.u32;
	s5 =	sadd.s32 $0x400, s7;
	s8 =	sand.u32 $0x1, s3;
	s6 =	sadd.s32 $0xE4400, s7  }
0x7: {  	s3 =	stileid.u32;
	v1 =	vor.u32 $0x10, v0;
	v2 =	vor.u32 $0x20, v0;
	v3 =	vor.u32 $0x30, v0;
	s7 =	sadd.s32 $0x2D8400, s7;
	s9 =	ssub.s32 $0x2, s8  }
0x8: {  	v4 =	vor.u32 $0x40, v0;
	v5 =	vor.u32 $0x50, v0;
	v6 =	vor.u32 $0x60, v0;
	s11 =	sshll.u32 s3, $0xA;
	s8 =	sshll.u32 s8, $0x9;
	s10 =	sshrl.u32 s9, $0x1  }
0x9: {  	v7 =	vor.u32 $0x70, v0;
	v8 =	vor.u32 $0x80, v0;
	v9 =	vor.u32 $0x90, v0;
	_ =	strace $0x8000004D;
	s8 =	sor.u32 s8, s11;
	s9 =	ssub.s32 s9, s10  }
0xa: {  	v10 =	vor.u32 $0xA0, v0;
	v11 =	vor.u32 $0xB0, v0;
	v12 =	vadd.s32 $0xB8, v0;
	s11 =	simm.s32 $0x3E80;
	s10 =	simm.s32 $0x1;
	s9 =	smax.u32 s9, $0x1  }
.LBB2_1:
0xb: {  	s15 =	simm.s32 $0x0  }
.LBB2_2:
0xc: {  	s16 =	sshll.u32 s15, $0x4  }
0xd: {  	s18 =	sadd.s32 s8, s16  }
0xe: {  	s16 =	smul.u32 $0x7D, s18;
	_ =	sdelay $0x1  }
0xf: {  	s17 =	simm.s32 $0x0;
	s19 =	sadd.s32 s1, s16  }
0x10: {  	[tilespmem:s17], [sflag:$0x1] =	stream.linear.gather [hbm4b:s19+s17], $0x3E80, $0x38;
	[tilespmem:$0x9600] =	vst v63  }
0x11: {  	_ =	swait.ge [sflag:s10], $0x3E80  }
0x12: {  	[sflag:s10] =	ssyncset.done $0x0  }
0x13: {  	s30 =	sadd.s32 s6, s16;
	[sflag:s10] =	ssyncadd.s32 $0xFFFFC180  }
0x14: {  	[tilespmem:s11], [sflag:$0x1] =	stream.linear.gather [hbm4b:s30+s17], $0x3E80, $0x38;
	[tilespmem:$0x9600] =	vst v63  }
0x15: {  	s18 =	smul.u32 $0x19, s18;
	_ =	swait.ge [sflag:s10], $0x3E80  }
0x16: {  	[sflag:s10] =	ssyncset.done $0x0  }
0x17: {  	s31 =	sadd.s32 s4, s18;
	[sflag:s10] =	ssyncadd.s32 $0xFFFFC180  }
0x18: {  	[tilespmem:s12], [sflag:$0x1] =	stream.linear.gather [hbm4b:s31+s17], $0xC80, $0x38;
	[tilespmem:$0x9600] =	vst v63  }
0x19: {  	_ =	swait.ge [sflag:s10], $0xC80  }
0x1a: {  	[sflag:s10] =	ssyncset.done $0x0  }
0x1b: {  	s18 =	sadd.s32 s5, s18;
	[sflag:s10] =	ssyncadd.s32 $0xFFFFF380  }
0x1c: {  	[tilespmem:s13], [sflag:$0x1] =	stream.linear.gather [hbm4b:s18+s17], $0xC80, $0x38;
	[tilespmem:$0x9600] =	vst v63  }
0x1d: {  	_ =	swait.ge [sflag:s10], $0xC80  }
0x1e: {  	s20 =	simm.s32 $0x0;
	[sflag:s10] =	ssyncset.done $0x0  }
0x1f: {  	s19 =	simm.s32 $0x89E0;
	s18 =	simm.s32 $0x7D60;
	[sflag:s10] =	ssyncadd.s32 $0xFFFFF380  }
.LBB2_3:
0x20: {  	v13 =	vld [tilespmem:s18+$0xFFFFFFA0];
	_ =	sdelay $0x4  }
0x21: {  	v13 =	vadd.s32 s17, v13;
	_ =	sdelay $0x4  }
0x22: {  	v14 =	vld.idx.msk [tilespmem:v13+s11+$0x0], $0xffff;
	_ =	sdelay $0x4  }
0x23: {  	v14 =	vtrunc.f32 v14  }
0x24: {  	v14 =	vcvt.f32.s32 v14;
	_ =	sdelay $0x1  }
0x25: {  	vm0 =	veq.s32 v14, v0  }
0x26: {  	v14 =	vld [tilespmem:s19+$0xFFFFFFA0];
	_ =	sdelay $0x4  }
0x27: {  	[tilespmem:v13+s2+$0x0] =	vst.idx.msk vm0, v14  }
0x28: {  	v13 =	vld [tilespmem:s18+$0xFFFFFFB0];
	_ =	sdelay $0x4  }
0x29: {  	v13 =	vadd.s32 s17, v13;
	_ =	sdelay $0x4  }
0x2a: {  	v14 =	vld.idx.msk [tilespmem:v13+s11+$0x0], $0xffff;
	_ =	sdelay $0x4  }
0x2b: {  	v14 =	vtrunc.f32 v14  }
0x2c: {  	v14 =	vcvt.f32.s32 v14;
	_ =	sdelay $0x1  }
0x2d: {  	vm4 =	veq.s32 v14, v1  }
0x2e: {  	v14 =	vld [tilespmem:s19+$0xFFFFFFB0];
	_ =	sdelay $0x4  }
0x2f: {  	[tilespmem:v13+s2+$0x0] =	vst.idx.msk vm4, v14  }
0x30: {  	v13 =	vld [tilespmem:s18+$0xFFFFFFC0];
	_ =	sdelay $0x4  }
0x31: {  	v13 =	vadd.s32 s17, v13;
	_ =	sdelay $0x4  }
0x32: {  	v14 =	vld.idx.msk [tilespmem:v13+s11+$0x0], $0xffff;
	_ =	sdelay $0x4  }
0x33: {  	v14 =	vtrunc.f32 v14  }
0x34: {  	v14 =	vcvt.f32.s32 v14;
	_ =	sdelay $0x1  }
0x35: {  	vm5 =	veq.s32 v14, v2  }
0x36: {  	v14 =	vld [tilespmem:s19+$0xFFFFFFC0];
	_ =	sdelay $0x4  }
0x37: {  	[tilespmem:v13+s2+$0x0] =	vst.idx.msk vm5, v14  }
0x38: {  	v13 =	vld [tilespmem:s18+$0xFFFFFFD0];
	_ =	sdelay $0x4  }
0x39: {  	v13 =	vadd.s32 s17, v13;
	_ =	sdelay $0x4  }
0x3a: {  	v14 =	vld.idx.msk [tilespmem:v13+s11+$0x0], $0xffff;
	_ =	sdelay $0x4  }
0x3b: {  	v14 =	vtrunc.f32 v14  }
0x3c: {  	v14 =	vcvt.f32.s32 v14;
	_ =	sdelay $0x1  }
0x3d: {  	vm6 =	veq.s32 v14, v3  }
0x3e: {  	v14 =	vld [tilespmem:s19+$0xFFFFFFD0];
	_ =	sdelay $0x4  }
0x3f: {  	[tilespmem:v13+s2+$0x0] =	vst.idx.msk vm6, v14  }
0x40: {  	v13 =	vld [tilespmem:s18+$0xFFFFFFE0];
	_ =	sdelay $0x4  }
0x41: {  	v13 =	vadd.s32 s17, v13;
	_ =	sdelay $0x4  }
0x42: {  	v14 =	vld.idx.msk [tilespmem:v13+s11+$0x0], $0xffff;
	_ =	sdelay $0x4  }
0x43: {  	v14 =	vtrunc.f32 v14  }
0x44: {  	v14 =	vcvt.f32.s32 v14;
	_ =	sdelay $0x1  }
0x45: {  	vm7 =	veq.s32 v14, v4  }
0x46: {  	v14 =	vld [tilespmem:s19+$0xFFFFFFE0];
	_ =	sdelay $0x4  }
0x47: {  	[tilespmem:v13+s2+$0x0] =	vst.idx.msk vm7, v14  }
0x48: {  	v13 =	vld [tilespmem:s18+$0xFFFFFFF0];
	_ =	sdelay $0x4  }
0x49: {  	v13 =	vadd.s32 s17, v13;
	_ =	sdelay $0x4  }
0x4a: {  	v14 =	vld.idx.msk [tilespmem:v13+s11+$0x0], $0xffff;
	_ =	sdelay $0x4  }
0x4b: {  	v14 =	vtrunc.f32 v14  }
0x4c: {  	v14 =	vcvt.f32.s32 v14;
	_ =	sdelay $0x1  }
0x4d: {  	vm8 =	veq.s32 v14, v5  }
0x4e: {  	v14 =	vld [tilespmem:s19+$0xFFFFFFF0];
	_ =	sdelay $0x4  }
0x4f: {  	[tilespmem:v13+s2+$0x0] =	vst.idx.msk vm8, v14  }
0x50: {  	v13 =	vld [tilespmem:s18+$0x0];
	_ =	sdelay $0x4  }
0x51: {  	v13 =	vadd.s32 s17, v13;
	_ =	sdelay $0x4  }
0x52: {  	v14 =	vld.idx.msk [tilespmem:v13+s11+$0x0], $0xffff;
	_ =	sdelay $0x4  }
0x53: {  	v14 =	vtrunc.f32 v14  }
0x54: {  	v14 =	vcvt.f32.s32 v14;
	_ =	sdelay $0x1  }
0x55: {  	vm9 =	veq.s32 v14, v6  }
0x56: {  	v14 =	vld [tilespmem:s19+$0x0];
	_ =	sdelay $0x4  }
0x57: {  	[tilespmem:v13+s2+$0x0] =	vst.idx.msk vm9, v14  }
0x58: {  	v13 =	vld [tilespmem:s18+$0x10];
	_ =	sdelay $0x4  }
0x59: {  	v13 =	vadd.s32 s17, v13;
	_ =	sdelay $0x4  }
0x5a: {  	v14 =	vld.idx.msk [tilespmem:v13+s11+$0x0], $0xffff;
	_ =	sdelay $0x4  }
0x5b: {  	v14 =	vtrunc.f32 v14  }
0x5c: {  	v14 =	vcvt.f32.s32 v14;
	_ =	sdelay $0x1  }
0x5d: {  	vm10 =	veq.s32 v14, v7  }
0x5e: {  	v14 =	vld [tilespmem:s19+$0x10];
	_ =	sdelay $0x4  }
0x5f: {  	s21 =	sand.u32 $0xFF8, s20;
	[tilespmem:v13+s2+$0x0] =	vst.idx.msk vm10, v14  }
0x60: {  	v13 =	vld [tilespmem:s21+$0x7D80];
	_ =	sdelay $0x4  }
0x61: {  	v13 =	vadd.s32 s17, v13;
	_ =	sdelay $0x4  }
0x62: {  	v14 =	vld.idx.msk [tilespmem:v13+s11+$0x0], $0xffff;
	_ =	sdelay $0x4  }
0x63: {  	v14 =	vtrunc.f32 v14  }
0x64: {  	v14 =	vcvt.f32.s32 v14;
	_ =	sdelay $0x1  }
0x65: {  	vm11 =	veq.s32 v14, v8  }
0x66: {  	v14 =	vld [tilespmem:s21+$0x8A00];
	_ =	sdelay $0x4  }
0x67: {  	[tilespmem:v13+s2+$0x0] =	vst.idx.msk vm11, v14  }
0x68: {  	v13 =	vld [tilespmem:s18+$0x30];
	_ =	sdelay $0x4  }
0x69: {  	v13 =	vadd.s32 s17, v13;
	_ =	sdelay $0x4  }
0x6a: {  	v14 =	vld.idx.msk [tilespmem:v13+s11+$0x0], $0xffff;
	_ =	sdelay $0x4  }
0x6b: {  	v14 =	vtrunc.f32 v14  }
0x6c: {  	v14 =	vcvt.f32.s32 v14;
	_ =	sdelay $0x1  }
0x6d: {  	vm12 =	veq.s32 v14, v9  }
0x6e: {  	v14 =	vld [tilespmem:s19+$0x30];
	_ =	sdelay $0x4  }
0x6f: {  	[tilespmem:v13+s2+$0x0] =	vst.idx.msk vm12, v14  }
0x70: {  	v13 =	vld [tilespmem:s18+$0x40];
	_ =	sdelay $0x4  }
0x71: {  	v13 =	vadd.s32 s17, v13;
	_ =	sdelay $0x4  }
0x72: {  	v14 =	vld.idx.msk [tilespmem:v13+s11+$0x0], $0xffff;
	_ =	sdelay $0x4  }
0x73: {  	v14 =	vtrunc.f32 v14  }
0x74: {  	v14 =	vcvt.f32.s32 v14;
	_ =	sdelay $0x1  }
0x75: {  	vm13 =	veq.s32 v14, v10  }
0x76: {  	v14 =	vld [tilespmem:s19+$0x40];
	_ =	sdelay $0x4  }
0x77: {  	[tilespmem:v13+s2+$0x0] =	vst.idx.msk vm13, v14  }
0x78: {  	v13 =	vld [tilespmem:s18+$0x50];
	_ =	sdelay $0x4  }
0x79: {  	v13 =	vadd.s32 s17, v13;
	_ =	sdelay $0x4  }
0x7a: {  	v14 =	vld.idx.msk [tilespmem:v13+s11+$0x0], $0xffff;
	_ =	sdelay $0x4  }
0x7b: {  	v14 =	vtrunc.f32 v14  }
0x7c: {  	v14 =	vcvt.f32.s32 v14;
	_ =	sdelay $0x1  }
0x7d: {  	vm14 =	veq.s32 v14, v11  }
0x7e: {  	v14 =	vld [tilespmem:s19+$0x50];
	_ =	sdelay $0x4  }
0x7f: {  	[tilespmem:v13+s2+$0x0] =	vst.idx.msk vm14, v14  }
0x80: {  	v13 =	vld [tilespmem:s18+$0x58];
	_ =	sdelay $0x4  }
0x81: {  	v13 =	vadd.s32 s17, v13;
	_ =	sdelay $0x4  }
0x82: {  	v14 =	vld.idx.msk [tilespmem:v13+s11+$0x0], $0xffff;
	_ =	sdelay $0x4  }
0x83: {  	v14 =	vtrunc.f32 v14  }
0x84: {  	v14 =	vcvt.f32.s32 v14;
	_ =	sdelay $0x1  }
0x85: {  	vm15 =	veq.s32 v14, v12  }
0x86: {  	p0 =	sne.s32 s20, $0xBB8;
	v14 =	vld [tilespmem:s19+$0x58]  }
.Ltmp0:
0x87: {  	_ = 	snop;
	(pc) =	sbr.rel @p0 .LBB2_3-.Ltmp0, $3  }
0x88: {  	_ =	sdelay $0x1  }
0x89: {  	s20 =	sadd.s32 $0xC8, s20  }
0x8a: {  	s18 =	sadd.s32 $0xC8, s18;
	s17 =	sadd.s32 $0x3E8, s17;
	s19 =	sadd.s32 $0xC8, s19;
	[tilespmem:v13+s2+$0x0] =	vst.idx.msk vm15, v14  }
0x8b: {  	s15 =	sadd.s32 $0x1, s15  }
0x8c: {  	p0 =	sne.s32 s15, $0x20  }
.Ltmp1:
0x8d: {  	s16 =	sadd.s32 s7, s16;
	(pc) =	sbr.rel @p0 .LBB2_2-.Ltmp1, $4  }
0x8e: {  	[hbm4b:s16+s2] =	stream.linear.scatter [tilespmem:s2], [sflag:$0x1], $0x3E80, $0x38;
	[tilespmem:$0x9600] =	vst v63  }
0x8f: {  	_ =	swait.ge [sflag:s10], $0x3E80  }
0x90: {  	[sflag:s10] =	ssyncset.done $0x0  }
0x91: {  	[sflag:s10] =	ssyncadd.s32 $0xFFFFC180  }
0x92: {  	s14 =	sadd.s32 $0x1, s14  }
0x93: {  	p0 =	sne.s32 s14, s9  }
.Ltmp2:
0x94: {  	_ = 	snop;
	(pc) =	sbr.rel @p0 .LBB2_1-.Ltmp2, $1  }
0x95: {  	_ =	sdelay $0x3  }
0x96: {  	_ =	sfence.sel $0x180000  }
0x97: {  	[bflag:$0x0] =	sbarrier.arrive $0xFFFF  }
0x98: {  	p0 =	sne.s32 s3, $0x0;
	_ =	strace $0x9000004D  }
0x99: {  	s0 =	sadd.s32 @!p0 $0x100000, s0;
	[bflag:$0x2] =	sbarrier.arrive $0xFFFF  }
0x9a: {  	[sflag:s0] =	ssyncadd.tile.s32 @!p0 $0x1;
	_ =	shalt  }
.Lfunc_end2:
_tile_overlayer_lowered:
.L_overlay_start_2:
0x9b: {  	(tag) =	ssettag $0x2  }
0x9c: {  	s0 =	rddreg [dreg:$0x0];
	s2 =	stileid.u32  }
0x9d: {  	s1 =	rddreg [dreg:$0x1];
	p0 =	sne.s32 s2, $0x0  }
0x9e: {  	s3 =	rddreg [dreg:$0x2];
	[bflag:$0x3] =	sbarrier.arrive $0xFFFF;
	s2 =	simm.s32 @!p0 $0x1C01  }
0x9f: {  	[timem:s3], [sflag:s2] =	dma.local @!p0 [hbm:s0], s1  }
0xa0: {  	s0 =	simm.s32 @!p0 $0x1  }
0xa1: {  	_ =	swait.ge @!p0 [sflag:s0], s1  }
0xa2: {  	s1 =	ssub.s32 @!p0 $0x0, s1;
	[sflag:s0] =	ssyncset.done @!p0 $0x0  }
0xa3: {  	[sflag:s0] =	ssyncadd.s32 @!p0 s1  }
0xa4: {  	[bflag:$0x3] =	sbarrier.arrive $0xFFFF  }
0xa5: {  	_ =	shalt  }

// kernel: sparse-core-data-format-call.1.cloned.1.call-start
scs
called_computation.1_lowered:
.L_overlay_start_0:
0x0: {  	s1 =	sld [smem:$0x3FD9]  }
0x1: {  	s2 =	sld [smem:$0x3FFE];
	_ =	sdelay $0x1  }
0x2: {  	s3 =	srdreg.scid  }
0x3: {  	s0 =	sand.u32 $0x1, s3  }
0x4: {  	s17 =	sshll.u32 s0, $0xA;
	s1 =	sadd.s32 s2, s1  }
0x5: {  	s1 =	sadd.s32 s1, s17  }
0x6: {  	[smem:$0x3FC5] =	sst s1  }
0x7: {  	_ = 	snop  }
0x8: {  	(tm) =	ssettm $0x1  }
0x9: {  	s18 =	sld [smem:$0x3FFB];
	_ =	sdelay $0x3  }
0xa: {  	_ =	strace s18  }
0xb: {  	s1 =	sld [smem:$0x3FFC];
	_ =	sdelay $0x3  }
0xc: {  	_ =	strace s1  }
0xd: {  	s1 =	sld [smem:$0x3FFD];
	_ =	sdelay $0x3  }
0xe: {  	_ =	strace s1  }
0xf: {  	_ =	strace $0x8FFFFFFF  }
0x10: {  	s19 =	sld [smem:$0x3FDB];
	_ =	sdelay $0x1  }
0x11: {  	s20 =	simm.s32 $_scs_section_size  }
0x12: {  	s4 =	simm.s32 $_size__tile_overlayer_lowered;
	s5 =	simm.s32 $_tile_overlayer_lowered  }
0x13: {  	s23 =	simm.s32 $0x1BFF;
	s22 =	sshll.u32 s5, $0x1;
	s1 =	sadd.s32 s20, s19  }
0x14: {  	s6 =	simm.s32 $0x0;
	s21 =	sshll.u32 s4, $0x1;
	s4 =	sadd.s32 s22, s1  }
0x15: {  	[timem:s6], [sflag:s23] =	dma.local [hbm:s4], s21  }
0x16: {  	_ =	swait.ge [sflag:s23], s21  }
0x17: {  	s2 =	ssub.s32 $0x0, s21;
	[sflag:s23] =	ssyncset.done $0x0  }
0x18: {  	[sflag:s23] =	ssyncadd.s32 s2;
	_ =	sdelay $0x1  }
0x19: {  	s24 =	simm.s32 $0x1B8B  }
0x1a: {  	_ =	swait.ge [sflag:s24], $0x1  }
0x1b: {  	[sflag:s24] =	ssyncset.done $0x0  }
0x1c: {  	s26 =	simm.s32 $0x1B8E;
	s25 =	sld [smem:$0x3FFE];
	[sflag:s24] =	ssyncadd.s32 $0xFFFFFFFF  }
0x1d: {  	s27 =	simm.s32 $execute0_lowered;
	[smem:$0x3FD2] =	sst s26  }
0x1e: {  	s4 =	sshll.u32 s27, $0x1;
	_ =	strace $0x80000049;
	[dreg:$0x1] =	wrdreg $0xFFFFFFFF  }
0x1f: {  	s28 =	simm.s32 $_size_execute0_lowered;
	s1 =	sadd.s32 s1, s4;
	[dreg:$0x0] =	wrdreg $0x0  }
0x20: {  	s4 =	sshll.u32 s28, $0x1;
	[dreg:$0x2] =	wrdreg s1  }
0x21: {  	[dreg:$0x3] =	wrdreg s4  }
0x22: {  	[dreg:$0x4] =	wrdreg $0xC0  }
0x23: {  	_ =	task [dreg:s6], $0x5FFFF  }
0x24: {  	[dreg:$0x1] =	wrdreg $0xFFFFFFFF  }
0x25: {  	[dreg:$0x0] =	wrdreg $0x60  }
0x26: {  	[dreg:$0x2] =	wrdreg s25  }
0x27: {  	[dreg:$0x3] =	wrdreg $0x9  }
0x28: {  	_ =	task.clear_ibuf [dreg:s6], $0x4FFFF;
	_ =	strace $0x90000049  }
0x29: {  	s29 =	simm.s32 $0x9;
	_ =	strace $0x8000004B  }
0x2a: {  	_ =	swait.ge [sflag:s29], $0x1  }
0x2b: {  	[sflag:s29] =	ssyncadd.s32 $0xFFFFFFFF  }
0x2c: {  	_ =	strace $0x9000004B  }
0x2d: {  	_ =	sfence  }
0x2e: {  	s30 =	sld [smem:$0x0];
	_ =	sdelay $0x2  }
0x2f: {  	s31 =	sshll.u32 s3, $0xD;
	s3 =	sshrl.u32 s3, $0x2  }
0x30: {  	s2 =	sand.u32 $0x4000, s31;
	s1 =	sadd.s32 s3, s30  }
0x31: {  	s0 =	sor.u32 s2, s0;
	s1 =	sshll.u32 s1, $0x11  }
0x32: {  	s0 =	sor.u32 s1, s0  }
0x33: {  	s0 =	sadd.s32 $0x8F2B, s0  }
0x34: {  	[sflag:s0] =	ssyncadd.remote.s32 $0x1  }
0x35: {  	_ =	sfence.sel $0xFFFF  }
0x36: {  	[dreg:$0x0] =	wrdreg $0xFFFFFFFF;
	(pc) =	sbr.abs _section_cstart, $3  }
0x37: {  	[dreg:$0x1] =	wrdreg $0xFFFFFFFF  }
0x38: {  	_ =	task.clear_ibuf [dreg:s6], $0x2FFFF;
	_ =	strace $0x9FFFFFFF  }
0x39: {  	(tm) =	ssettm $0x7FFFFFFF  }
tec
execute0_lowered:
.L_overlay_start_1:
0x0: {  	(tag) =	ssettag $0x1  }
0x1: {  	s4 =	rddreg [dreg:$0x0]  }
0x2: {  	s1 =	stileid.u32;
	s2 =	srdreg.scid  }
0x3: {  	s0 =	rddreg [dreg:$0x1];
	_ =	strace $0x8000004A;
	s5 =	simm.s32 $0x1  }
0x4: {  	s9 =	simm.s32 $0x2;
	s3 =	sshll.u32 s1, $0x4;
	s2 =	sshll.u32 s2, $0x8  }
0x5: {  	s14 =	simm.s32 $0x0;
	s13 =	simm.s32 $0x0;
	s3 =	sor.u32 s3, s2  }
0x6: {  	s12 =	simm.s32 $0x0;
	s7 =	sshll.u32 s1, $0x7;
	s3 =	sand.u32 $0x180, s3  }
0x7: {  	[sflag:s5] =	ssyncpa.u1 $0x0;
	s2 =	sadd.s32 $0x1F4400, s4;
	s6 =	ssub.s32 $0x4000, s3  }
.Ltmp0:
0x8: {  	s4 =	sadd.s32 $0x3E8400, s4;
	s8 =	sand.u32 $0x180, s6;
	(pc) =	sbr.rel .LBB1_1-.Ltmp0, $4  }
0x9: {  	[sflag:s9] =	ssyncpa.u1 $0x0;
	p0 =	sne.s32 s8, $0x0;
	s8 =	simm.s32 $0x1  }
0xa: {  	s10 =	sshrl.u32 s6, $0x9;
	s6 =	sand.u32 $0x380, s7;
	s8 =	simm.s32 @!p0 $0x0  }
0xb: {  	s9 =	simm.s32 $0x2000;
	s11 =	smov.u32 s6;
	s7 =	sadd.s32 s8, s10  }
0xc: {  	p0 =	por $0x0, $0x0;
	s10 =	smov.u32 s3;
	s8 =	sadd.s32 $0x1, s7  }
.LBB1_4:
0xd: {  	v5 =	vld [tilespmem:s18+$0xFFFFFFD0];
	[tilespmem:s17+$0x2040 ss:$0x81] =	vst.msk $0xffff, v1  }
0xe: {  	v58 =	vld [tilespmem:s18+$0xFFFFFFE0];
	[tilespmem:s17+$0x2850 ss:$0x81] =	vst.msk $0xffff, v2  }
0xf: {  	s19 =	sshra.s32 s19, $0x2;
	v59 =	vld [tilespmem:s18+$0xFFFFFFF0];
	[tilespmem:s17+$0x3060 ss:$0x81] =	vst.msk $0xffff, v3  }
0x10: {  	v60 =	vld [tilespmem:s18+$0x0];
	[tilespmem:s17+$0x0 ss:$0x81] =	vst.msk $0xffff, v0;
	s16 =	sadd.s32 s19, s16  }
0x11: {  	v61 =	vld [tilespmem:s18+$0x10];
	[tilespmem:s16+$0x3870 ss:$0x81] =	vst.msk $0xffff, v4  }
0x12: {  	v62 =	vld [tilespmem:s18+$0x20];
	s26 =	sshll.u32 s14, $0xA;
	s27 =	sshll.u32 s13, $0x3;
	[tilespmem:s16+$0x810 ss:$0x81] =	vst.msk $0xffff, v5  }
0x13: {  	v63 =	vld [tilespmem:s18+$0xFFFFFFC0];
	s29 =	sshll.u32 s14, $0x7;
	s17 =	sand.u32 $0xFFE000, s26;
	s28 =	sand.u32 $0xFFFC00, s27;
	[tilespmem:s16+$0x1020 ss:$0x81] =	vst.msk $0xffff, v58  }
0x14: {  	s30 =	sand.u32 $0x78, s13;
	s14 =	sand.u32 $0x380, s29;
	s17 =	sadd.s32 s28, s17;
	[tilespmem:s16+$0x1830 ss:$0x81] =	vst.msk $0xffff, v59  }
0x15: {  	s14 =	sor.u32 s30, s14;
	s17 =	sand.u32 $0xFFFC00, s17;
	[tilespmem:s16+$0x2040 ss:$0x81] =	vst.msk $0xffff, v60  }
0x16: {  	s31 =	sand.u32 $0x7, s13;
	s14 =	sor.u32 s17, s14;
	[tilespmem:s16+$0x2850 ss:$0x81] =	vst.msk $0xffff, v61  }
0x17: {  	s13 =	sshll.u32 s31, $0x12;
	[tilespmem:s16+$0x3060 ss:$0x81] =	vst.msk $0xffff, v62;
	s14 =	sshrl.u32 s14, $0x3  }
0x18: {  	s13 =	sor.u32 $0x400, s13;
	[tilespmem:s16+$0x0 ss:$0x81] =	vst.msk $0xffff, v63;
	s14 =	sadd.s32 s4, s14  }
0x19: {  	[hbm4b:s14+s13] =	stream.strided.scatter [tilespmem:s15], [sflag:$0x2], $0x4000, s9, s13, $0x20;
	[tilespmem:$0x10100] =	vst v63  }
.LBB1_5:
0x1a: {  	s15 =	sadd.s32 $0x200, s10  }
0x1b: {  	s13 =	sadd.s32 $0x400, s11;
	s17 =	smov.u32 s11;
	p2 =	sgt.s32 s15, $0x3FFF  }
0x1c: {  	s17 =	smov.u32 @p2 s13  }
0x1d: {  	s15 =	smov.u32 @p2 s3;
	p2 =	sgt.s32 s17, $0x3E7  }
0x1e: {  	s17 =	smov.u32 @p2 s6;
	p2 =	sne.s32 s12, s8  }
.Ltmp1:
0x1f: {  	p1 =	slt.u32 s12, $0x2;
	(pc) =	sbr.rel @!p2 .LBB1_6-.Ltmp1, $4  }
0x20: {  	s16 =	simm.s32 @!p1 $0x2  }
0x21: {  	s14 =	smov.u32 s10;
	p0 =	por !p0, !p0;
	_ =	swait.ge @!p1 [sflag:s16], $0x4000  }
0x22: {  	s13 =	smov.u32 s11;
	[sflag:s16] =	ssyncset.done @!p1 $0x0;
	s10 =	smov.u32 s15  }
0x23: {  	s12 =	sadd.s32 $0x1, s12;
	[sflag:s16] =	ssyncadd.s32 @!p1 $0xFFFFC000;
	s11 =	smov.u32 s17  }
.LBB1_1:
0x24: {  	p1 =	sge.u32 s12, s7;
	s18 =	smov.u32 s11  }
0x25: {  	s15 =	sshll.u32 @!p1 s11, $0xE;
	s16 =	sand.u32 @!p1 $0x78, s10;
	p2 =	sgt.s32 @!p1 s11, $0x368  }
0x26: {  	s17 =	sshll.u32 @!p1 s10, $0x3;
	s19 =	sshra.s32 @!p1 s11, $0x1F;
	s21 =	sshra.s32 @!p1 s10, $0x1F  }
0x27: {  	s15 =	sand.u32 @!p1 $0xFFFE0000, s15;
	p2 =	por !p2, p1;
	s19 =	sand.u32 @!p1 s19, s11  }
0x28: {  	s21 =	sand.u32 @!p1 s21, s10;
	s18 =	simm.s32 @p2 $0x368;
	p2 =	sgt.s32 @!p1 s10, $0x3F80  }
0x29: {  	s15 =	sadd.s32 @!p1 s15, s17;
	s17 =	sand.u32 @!p1 $0x3C00, s17;
	s18 =	ssub.s32 @!p1 s18, s19  }
0x2a: {  	p2 =	por !p2, p1;
	s19 =	smov.u32 s10;
	s15 =	sshrl.u32 @!p1 s15, $0xE  }
0x2b: {  	s20 =	sadd.s32 @!p1 $0xFFFFFC98, s18;
	s19 =	simm.s32 @p2 $0x3F80;
	s18 =	ssub.s32 @!p1 $0x3E8, s18  }
0x2c: {  	p2 =	sgt.s32 @!p1 s20, $0x7F;
	s20 =	sshll.u32 @!p1 s11, $0x7;
	s19 =	ssub.s32 @!p1 s19, s21  }
0x2d: {  	s20 =	sand.u32 @!p1 $0x380, s20;
	p2 =	por !p2, p1;
	s21 =	sadd.s32 @!p1 $0xFFFFC080, s19  }
0x2e: {  	s18 =	simm.s32 @!p2 $0x0;
	p2 =	sgt.s32 @!p1 s21, $0x7F;
	s21 =	smulhi.u32 @!p1 $0x418938, s15  }
0x2f: {  	s19 =	ssub.s32 @!p1 $0x4000, s19;
	s16 =	sor.u32 @!p1 s20, s16;
	p2 =	por !p2, p1  }
0x30: {  	s16 =	sor.u32 @!p1 s17, s16;
	s21 =	smul.u32 @!p1 $0x3E8, s21;
	s19 =	simm.s32 @!p2 $0x0  }
0x31: {  	s20 =	sxor.u32 @!p1 $0xFFFFFFFF, s12;
	s16 =	sshrl.u32 @!p1 s16, $0x3;
	s18 =	smul.u32 @!p1 s18, s19  }
0x32: {  	s31 =	sadd.s32 $0xFFFFFFFF, s12;
	s19 =	sshll.u32 @!p1 s20, $0xE;
	s16 =	sadd.s32 @!p1 s2, s16  }
0x33: {  	s15 =	ssub.s32 @!p1 s15, s21;
	s17 =	sand.u32 @!p1 $0x3FFFFFFF, s18;
	s18 =	sand.u32 @!p1 $0x7, s10  }
0x34: {  	s19 =	sand.u32 @!p1 $0x4000, s19;
	s15 =	sshll.u32 @!p1 s15, $0xB;
	s18 =	sshll.u32 @!p1 s18, $0x12  }
0x35: {  	s15 =	sadd.s32 @!p1 s15, s16;
	s16 =	sor.u32 @!p1 $0x400, s18;
	s18 =	simm.s32 @!p1 $0x20000  }
0x36: {  	[tilespmem:s19], [sflag:$0x1] =	stream.strided.gather @!p1 [hbm4b:s15+s16], s17, s18, s16, $0x38;
	[tilespmem:$0x10100] =	vst v63  }
0x37: {  	p1 =	sge.u32 s31, s7  }
.Ltmp2:
0x38: {  	_ = 	snop;
	(pc) =	sbr.rel @p1 .LBB1_5-.Ltmp2, $1  }
0x39: {  	_ =	sdelay $0x3  }
0x3a: {  	p1 =	sgt.s32 s13, $0x368  }
0x3b: {  	s15 =	smov.u32 s13;
	s16 =	sshra.s32 s13, $0x1F;
	s17 =	smov.u32 s14  }
0x3c: {  	s18 =	sshra.s32 s14, $0x1F;
	s15 =	simm.s32 @!p1 $0x368;
	p1 =	sgt.s32 s14, $0x3F80  }
0x3d: {  	s16 =	sand.u32 s16, s13;
	s26 =	sand.u32 s18, s14;
	s17 =	simm.s32 @!p1 $0x3F80  }
0x3e: {  	s15 =	ssub.s32 s15, s16;
	s16 =	ssub.s32 s17, s26  }
0x3f: {  	s27 =	sadd.s32 $0xFFFFFC98, s15;
	s15 =	ssub.s32 $0x3E8, s15;
	s17 =	sadd.s32 $0xFFFFC080, s16  }
0x40: {  	p1 =	sgt.s32 s27, $0x7F;
	s16 =	ssub.s32 $0x4000, s16;
	p2 =	sgt.s32 s17, $0x7F  }
0x41: {  	s15 =	simm.s32 @p1 $0x0;
	s16 =	simm.s32 @p2 $0x0  }
0x42: {  	s15 =	smul.u32 s15, s16;
	_ =	sdelay $0x1  }
0x43: {  	s16 =	simm.s32 $0x1;
	s15 =	sand.u32 $0x3FFFFFFF, s15  }
0x44: {  	s16 =	simm.s32 @!p0 $0x0;
	_ =	swait.ge [sflag:s5], s15  }
0x45: {  	s28 =	sshll.u32 s16, $0xE;
	s15 =	ssub.s32 $0x0, s15;
	[sflag:s5] =	ssyncset.done $0x0  }
0x46: {  	s29 =	sor.u32 $0x40, s28;
	[sflag:s5] =	ssyncadd.s32 s15  }
0x47: {  	s30 =	smul.u32 $0x10200, s16;
	v0 =	vld [tilespmem:s29+$0x30]  }
0x48: {  	v3 =	vld [tilespmem:s29+$0xFFFFFFD0]  }
0x49: {  	s15 =	sshrl.u32 s30, $0x2;
	v4 =	vld [tilespmem:s29+$0xFFFFFFE0]  }
0x4a: {  	s16 =	sor.u32 $0x8000, s15;
	v5 =	vld [tilespmem:s29+$0xFFFFFFF0]  }
0x4b: {  	s31 =	sand.u32 $0x1, s12;
	v1 =	vld [tilespmem:s29+$0x0];
	s17 =	sadd.s32 $0x0, s16  }
0x4c: {  	s15 =	smul.u32 $0x10200, s31;
	v2 =	vld [tilespmem:s29+$0x10];
	[tilespmem:s17+$0x3870 ss:$0x81] =	vst.msk $0xffff, v0  }
0x4d: {  	[tilespmem:s17+$0x810 ss:$0x81] =	vst.msk $0xffff, v3;
	v3 =	vld [tilespmem:s29+$0x20]  }
0x4e: {  	s18 =	sadd.s32 $0x80, s29;
	s15 =	sshrl.u32 s15, $0x2;
	v0 =	vld [tilespmem:s29+$0xFFFFFFC0];
	[tilespmem:s17+$0x1020 ss:$0x81] =	vst.msk $0xffff, v4  }
0x4f: {  	s19 =	simm.s32 $0x4;
	s20 =	simm.s32 $0x8;
	s15 =	sor.u32 $0x8000, s15;
	v4 =	vld [tilespmem:s18+$0x30];
	[tilespmem:s17+$0x1830 ss:$0x81] =	vst.msk $0xffff, v5  }
.LBB1_3:
0x50: {  	p1 =	sne.s32 s20, $0x1FC;
	v5 =	vld [tilespmem:s18+$0xFFFFFFD0];
	[tilespmem:s17+$0x2040 ss:$0x81] =	vst.msk $0xffff, v1  }
0x51: {  	v6 =	vld [tilespmem:s18+$0xFFFFFFE0];
	[tilespmem:s17+$0x2850 ss:$0x81] =	vst.msk $0xffff, v2  }
0x52: {  	s21 =	sshra.s32 s19, $0x2;
	s19 =	smov.u32 s20;
	v7 =	vld [tilespmem:s18+$0xFFFFFFF0];
	[tilespmem:s17+$0x3060 ss:$0x81] =	vst.msk $0xffff, v3  }
.Ltmp3:
0x53: {  	v1 =	vld [tilespmem:s18+$0x0];
	[tilespmem:s17+$0x0 ss:$0x81] =	vst.msk $0xffff, v0;
	s17 =	sadd.s32 s21, s16;
	(pc) =	sbr.rel @p1 .LBB1_3-.Ltmp3, $4  }
0x54: {  	v2 =	vld [tilespmem:s18+$0x10];
	[tilespmem:s17+$0x3870 ss:$0x81] =	vst.msk $0xffff, v4  }
0x55: {  	[tilespmem:s17+$0x810 ss:$0x81] =	vst.msk $0xffff, v5;
	v3 =	vld [tilespmem:s18+$0x20]  }
0x56: {  	v0 =	vld [tilespmem:s18+$0xFFFFFFC0];
	[tilespmem:s17+$0x1020 ss:$0x81] =	vst.msk $0xffff, v6;
	s18 =	sadd.s32 $0x80, s18  }
0x57: {  	s20 =	sadd.s32 $0x4, s20;
	v4 =	vld [tilespmem:s18+$0x30];
	[tilespmem:s17+$0x1830 ss:$0x81] =	vst.msk $0xffff, v7  }
.Ltmp4:
0x58: {  	_ = 	snop;
	(pc) =	sbr.rel .LBB1_4-.Ltmp4, $1  }
0x59: {  	_ =	sdelay $0x3  }
.LBB1_6:
0x5a: {  	_ =	sfence.sel $0x180000  }
0x5b: {  	s2 =	simm.s32 $0x1;
	[bflag:$0x0] =	sbarrier.arrive $0xFFFF  }
0x5c: {  	s31 =	simm.s32 $0x2;
	[sflag:s2] =	ssyncpa.u1 $0x1  }
0x5d: {  	[sflag:s31] =	ssyncpa.u1 $0x1  }
0x5e: {  	p0 =	sne.s32 s1, $0x0;
	_ =	strace $0x9000004A  }
0x5f: {  	s0 =	sadd.s32 @!p0 $0x100000, s0;
	[bflag:$0x2] =	sbarrier.arrive $0xFFFF  }
0x60: {  	[sflag:s0] =	ssyncadd.tile.s32 @!p0 $0x1;
	_ =	shalt  }
.Lfunc_end1:
_tile_overlayer_lowered:
.L_overlay_start_2:
0x61: {  	(tag) =	ssettag $0x2  }
0x62: {  	s0 =	rddreg [dreg:$0x0];
	s2 =	stileid.u32  }
0x63: {  	s1 =	rddreg [dreg:$0x1];
	p0 =	sne.s32 s2, $0x0  }
0x64: {  	s3 =	rddreg [dreg:$0x2];
	[bflag:$0x3] =	sbarrier.arrive $0xFFFF;
	s2 =	simm.s32 @!p0 $0x1C01  }
0x65: {  	[timem:s3], [sflag:s2] =	dma.local @!p0 [hbm:s0], s1  }
0x66: {  	s0 =	simm.s32 @!p0 $0x1  }
0x67: {  	_ =	swait.ge @!p0 [sflag:s0], s1  }
0x68: {  	s1 =	ssub.s32 @!p0 $0x0, s1;
	[sflag:s0] =	ssyncset.done @!p0 $0x0  }
0x69: {  	[sflag:s0] =	ssyncadd.s32 @!p0 s1  }
0x6a: {  	[bflag:$0x3] =	sbarrier.arrive $0xFFFF  }
0x6b: {  	_ =	shalt  }

// kernel: sparse-core-data-format-call.2.cloned.1.call-start
scs
called_computation.2_lowered:
.L_overlay_start_0:
0x0: {  	s2 =	sld [smem:$0x3FD9]  }
0x1: {  	s3 =	sld [smem:$0x3FFE];
	_ =	sdelay $0x1  }
0x2: {  	s1 =	srdreg.scid  }
0x3: {  	s0 =	sand.u32 $0x1, s1  }
0x4: {  	s18 =	sshll.u32 s0, $0xA;
	s2 =	sadd.s32 s3, s2  }
0x5: {  	s2 =	sadd.s32 s2, s18  }
0x6: {  	[smem:$0x3FC5] =	sst s2  }
0x7: {  	_ = 	snop  }
0x8: {  	s2 =	sld [smem:$0x3FD0];
	(tm) =	ssettm $0x1  }
0x9: {  	s19 =	sld [smem:$0x3FFB];
	_ =	sdelay $0x3  }
0xa: {  	_ =	strace s19  }
0xb: {  	s3 =	sld [smem:$0x3FFC];
	_ =	sdelay $0x3  }
0xc: {  	_ =	strace s3  }
0xd: {  	s3 =	sld [smem:$0x3FFD];
	_ =	sdelay $0x3  }
0xe: {  	_ =	strace s3  }
0xf: {  	_ =	strace $0x8FFFFFFF  }
0x10: {  	s20 =	sld [smem:$0x3FDB];
	_ =	sdelay $0x1  }
0x11: {  	s4 =	simm.s32 $_scs_section_size  }
0x12: {  	s5 =	simm.s32 $_size__tile_overlayer_lowered;
	s6 =	simm.s32 $_tile_overlayer_lowered  }
0x13: {  	s23 =	simm.s32 $0x1BFF;
	s22 =	sshll.u32 s6, $0x1;
	s3 =	sadd.s32 s4, s20  }
0x14: {  	s7 =	simm.s32 $0x0;
	s21 =	sshll.u32 s5, $0x1;
	s5 =	sadd.s32 s22, s3  }
0x15: {  	[timem:s7], [sflag:s23] =	dma.local [hbm:s5], s21  }
0x16: {  	_ =	swait.ge [sflag:s23], s21  }
0x17: {  	s4 =	ssub.s32 $0x0, s21;
	[sflag:s23] =	ssyncset.done $0x0  }
0x18: {  	[sflag:s23] =	ssyncadd.s32 s4;
	_ =	sdelay $0x1  }
0x19: {  	s24 =	simm.s32 $0x1B8B  }
0x1a: {  	_ =	swait.ge [sflag:s24], $0x1  }
0x1b: {  	[sflag:s24] =	ssyncset.done $0x0  }
0x1c: {  	s26 =	simm.s32 $0x1B8E;
	s25 =	sld [smem:$0x3FFE];
	[sflag:s24] =	ssyncadd.s32 $0xFFFFFFFF  }
0x1d: {  	s27 =	simm.s32 $execute0_lowered;
	[smem:$0x3FD2] =	sst s26  }
0x1e: {  	s5 =	sshll.u32 s27, $0x1;
	_ =	strace $0x80000046;
	[dreg:$0x1] =	wrdreg $0xFFFFFFFF  }
0x1f: {  	s28 =	simm.s32 $_size_execute0_lowered;
	s3 =	sadd.s32 s3, s5;
	[dreg:$0x0] =	wrdreg $0x0  }
0x20: {  	s5 =	sshll.u32 s28, $0x1;
	[dreg:$0x2] =	wrdreg s3  }
0x21: {  	[dreg:$0x3] =	wrdreg s5  }
0x22: {  	[dreg:$0x4] =	wrdreg $0xC0  }
0x23: {  	_ =	task [dreg:s7], $0x5FFFF  }
0x24: {  	[dreg:$0x1] =	wrdreg $0xFFFFFFFF  }
0x25: {  	[dreg:$0x0] =	wrdreg $0x60  }
0x26: {  	[dreg:$0x2] =	wrdreg s2  }
0x27: {  	[dreg:$0x3] =	wrdreg s25  }
0x28: {  	[dreg:$0x4] =	wrdreg $0x9  }
0x29: {  	_ =	task.clear_ibuf [dreg:s7], $0x5FFFF;
	_ =	strace $0x90000046  }
0x2a: {  	s29 =	simm.s32 $0x9;
	_ =	strace $0x80000048  }
0x2b: {  	_ =	swait.ge [sflag:s29], $0x1  }
0x2c: {  	[sflag:s29] =	ssyncadd.s32 $0xFFFFFFFF  }
0x2d: {  	_ =	strace $0x90000048  }
0x2e: {  	_ =	sfence  }
0x2f: {  	s30 =	sld [smem:$0x0];
	_ =	sdelay $0x2  }
0x30: {  	s31 =	sshll.u32 s1, $0xD;
	s1 =	sshrl.u32 s1, $0x2  }
0x31: {  	s3 =	sand.u32 $0x4000, s31;
	s1 =	sadd.s32 s1, s30  }
0x32: {  	s0 =	sor.u32 s3, s0;
	s1 =	sshll.u32 s1, $0x11  }
0x33: {  	s0 =	sor.u32 s1, s0  }
0x34: {  	s0 =	sadd.s32 $0x8F2B, s0  }
0x35: {  	[sflag:s0] =	ssyncadd.remote.s32 $0x1  }
0x36: {  	_ =	sfence.sel $0xFFFF  }
0x37: {  	[dreg:$0x0] =	wrdreg $0xFFFFFFFF;
	(pc) =	sbr.abs _section_cstart, $3  }
0x38: {  	[dreg:$0x1] =	wrdreg $0xFFFFFFFF  }
0x39: {  	_ =	task.clear_ibuf [dreg:s7], $0x2FFFF;
	_ =	strace $0x9FFFFFFF  }
0x3a: {  	(tm) =	ssettm $0x7FFFFFFF  }
0x3b: {  	_ =	shalt  }
tec
execute0_lowered:
.L_overlay_start_1:
0x0: {  	(tag) =	ssettag $0x1  }
0x1: {  	s0 =	stileid.u32;
	s7 =	rddreg [dreg:$0x0]  }
0x2: {  	s1 =	srdreg.scid;
	s4 =	rddreg [dreg:$0x1]  }
0x3: {  	s31 =	simm.s32 $0x2;
	s2 =	sshll.u32 s0, $0x2;
	s1 =	sshll.u32 s1, $0x6  }
0x4: {  	s14 =	simm.s32 $0x0;
	s10 =	simm.s32 $0x4000;
	s1 =	sor.u32 s2, s1  }
0x5: {  	s11 =	simm.s32 $0x0;
	s15 =	simm.s32 $0x0;
	s2 =	sand.u32 $0x70, s1  }
0x6: {  	s13 =	simm.s32 $0x0;
	s3 =	sand.u32 $0x3, s0;
	s5 =	ssub.s32 $0x80, s2  }
0x7: {  	s4 =	sadd.s32 $0x400, s4;
	s8 =	ssub.s32 $0x80, s3;
	s6 =	sand.u32 $0x70, s5  }
0x8: {  	s1 =	rddreg [dreg:$0x2];
	p0 =	sne.s32 s6, $0x0;
	s6 =	simm.s32 $0x1  }
.Ltmp0:
0x9: {  	s5 =	sshrl.u32 s5, $0x7;
	s6 =	simm.s32 @!p0 $0x0;
	(pc) =	sbr.rel .LBB1_1-.Ltmp0, $4  }
0xa: {  	_ =	strace $0x80000047;
	s8 =	sshrl.u32 s8, $0x2;
	s6 =	sadd.s32 s6, s5  }
0xb: {  	s9 =	sshll.u32 s2, $0x7;
	s5 =	simm.s32 $0x1;
	s6 =	smul.u32 s8, s6  }
0xc: {  	s12 =	smov.u32 s3;
	s7 =	sadd.s32 s7, s9;
	[sflag:s5] =	ssyncpa.u1 $0x0  }
0xd: {  	s9 =	simm.s32 $0x800;
	[sflag:s31] =	ssyncpa.u1 $0x0;
	s8 =	sadd.s32 $0x1, s6  }
.LBB1_7:
0xe: {  	s16 =	sadd.s32 $0x4, s12  }
0xf: {  	p1 =	sgt.s32 s16, $0x7C  }
0x10: {  	s16 =	smov.u32 @p1 s3;
	p1 =	sne.s32 s13, s8  }
.Ltmp1:
0x11: {  	p0 =	slt.u32 s13, $0x2;
	(pc) =	sbr.rel @!p1 .LBB1_8-.Ltmp1, $4  }
0x12: {  	s14 =	simm.s32 @!p0 $0x2  }
0x13: {  	s17 =	sadd.s32 $0x1, s13;
	s15 =	smov.u32 s12;
	_ =	swait.ge @!p0 [sflag:s14], $0x4000  }
0x14: {  	s11 =	sadd.s32 $0x4000, s11;
	s13 =	smov.u32 s17;
	[sflag:s14] =	ssyncset.done @!p0 $0x0  }
0x15: {  	s12 =	smov.u32 s16;
	[sflag:s14] =	ssyncadd.s32 @!p0 $0xFFFFC000;
	s14 =	smov.u32 s2  }
.LBB1_1:
0x16: {  	p0 =	sge.u32 s13, s6  }
0x17: {  	s16 =	sxor.u32 @!p0 $0xFFFFFFFF, s13  }
0x18: {  	s31 =	sadd.s32 $0xFFFFFFFF, s13;
	s17 =	sshll.u32 @!p0 s12, $0xE;
	s16 =	sshll.u32 @!p0 s16, $0xE  }
0x19: {  	s18 =	simm.s32 @!p0 $0x0;
	s17 =	sadd.s32 @!p0 s17, s7;
	s16 =	sand.u32 @!p0 $0x4000, s16  }
0x1a: {  	[tilespmem:s16], [sflag:$0x1] =	stream.linear.gather @!p0 [hbm4b:s17+s18], $0x4000, $0x38;
	[tilespmem:$0x10000] =	vst v63  }
0x1b: {  	p0 =	sge.u32 s31, s6  }
.Ltmp2:
0x1c: {  	_ = 	snop;
	(pc) =	sbr.rel @p0 .LBB1_7-.Ltmp2, $1  }
0x1d: {  	_ =	sdelay $0x3  }
0x1e: {  	s17 =	sand.u32 $0x4000, s11  }
0x1f: {  	_ =	swait.ge [sflag:s5], $0x4000;
	s19 =	sshll.u32 s13, $0xE;
	s16 =	sor.u32 $0x8040, s17  }
0x20: {  	s18 =	sor.u32 $0x40, s17;
	[sflag:s5] =	ssyncset.done $0x0;
	s31 =	sand.u32 $0x4000, s19  }
0x21: {  	s19 =	simm.s32 $0x0;
	[sflag:s5] =	ssyncadd.s32 $0xFFFFC000;
	s17 =	sor.u32 $0x8000, s31  }
.LBB1_3:
0x22: {  	v0 =	vmov s18;
	_ =	sdelay $0x3  }
0x23: {  	s21 =	simm.s32 $0x0  }
0x24: {  	v6 =	vld.idx.msk [tilespmem:v0+s21+$0x30 ss:$0x1], $0xffff  }
0x25: {  	v7 =	vld.idx.msk [tilespmem:v0+s21+$0xFFFFFFC0 ss:$0x1], $0xffff  }
0x26: {  	v5 =	vld.idx.msk [tilespmem:v0+s21+$0xFFFFFFD0 ss:$0x1], $0xffff  }
0x27: {  	v4 =	vld.idx.msk [tilespmem:v0+s21+$0xFFFFFFE0 ss:$0x1], $0xffff  }
0x28: {  	v3 =	vld.idx.msk [tilespmem:v0+s21+$0xFFFFFFF0 ss:$0x1], $0xffff  }
0x29: {  	v1 =	vld.idx.msk [tilespmem:v0+s21+$0x0 ss:$0x1], $0xffff  }
0x2a: {  	v2 =	vld.idx.msk [tilespmem:v0+s21+$0x10 ss:$0x1], $0xffff;
	[tilespmem:s16+$0x30] =	vst v6  }
0x2b: {  	s20 =	simm.s32 $0x80;
	s22 =	simm.s32 $0x400;
	[tilespmem:s16+$0xFFFFFFC0] =	vst v7;
	v6 =	vld.idx.msk [tilespmem:v0+s21+$0x20 ss:$0x1], $0xffff;
	s21 =	smov.u32 s16  }
.LBB1_4:
0x2c: {  	p0 =	sne.s32 s22, $0xE00;
	v7 =	vld.idx.msk [tilespmem:v0+s20+$0x30 ss:$0x1], $0xffff;
	[tilespmem:s21+$0xFFFFFFD0] =	vst v5  }
0x2d: {  	v8 =	vld.idx.msk [tilespmem:v0+s20+$0xFFFFFFC0 ss:$0x1], $0xffff;
	[tilespmem:s21+$0xFFFFFFE0] =	vst v4  }
0x2e: {  	v5 =	vld.idx.msk [tilespmem:v0+s20+$0xFFFFFFD0 ss:$0x1], $0xffff;
	[tilespmem:s21+$0xFFFFFFF0] =	vst v3  }
.Ltmp3:
0x2f: {  	v4 =	vld.idx.msk [tilespmem:v0+s20+$0xFFFFFFE0 ss:$0x1], $0xffff;
	[tilespmem:s21+$0x0] =	vst v1;
	(pc) =	sbr.rel @p0 .LBB1_4-.Ltmp3, $4  }
0x30: {  	v3 =	vld.idx.msk [tilespmem:v0+s20+$0xFFFFFFF0 ss:$0x1], $0xffff;
	[tilespmem:s21+$0x10] =	vst v2  }
0x31: {  	v1 =	vld.idx.msk [tilespmem:v0+s20+$0x0 ss:$0x1], $0xffff;
	[tilespmem:s21+$0x20] =	vst v6;
	s21 =	sadd.s32 $0x800, s21  }
0x32: {  	v2 =	vld.idx.msk [tilespmem:v0+s20+$0x10 ss:$0x1], $0xffff;
	[tilespmem:s21+$0x30] =	vst v7  }
0x33: {  	[tilespmem:s21+$0xFFFFFFC0] =	vst v8;
	v6 =	vld.idx.msk [tilespmem:v0+s20+$0x20 ss:$0x1], $0xffff;
	s20 =	sshra.s32 s22, $0x2;
	s22 =	sadd.s32 $0x200, s22  }
0x34: {  	_ =	sdelay $0x2  }
0x35: {  	[tilespmem:s21+$0xFFFFFFD0] =	vst v5  }
0x36: {  	v56 =	vld.idx.msk [tilespmem:v0+s20+$0x30 ss:$0x1], $0xffff;
	[tilespmem:s21+$0xFFFFFFE0] =	vst v4  }
0x37: {  	v57 =	vld.idx.msk [tilespmem:v0+s20+$0xFFFFFFC0 ss:$0x1], $0xffff;
	[tilespmem:s21+$0xFFFFFFF0] =	vst v3  }
0x38: {  	v58 =	vld.idx.msk [tilespmem:v0+s20+$0xFFFFFFD0 ss:$0x1], $0xffff;
	[tilespmem:s21+$0x0] =	vst v1  }
0x39: {  	v59 =	vld.idx.msk [tilespmem:v0+s20+$0xFFFFFFE0 ss:$0x1], $0xffff;
	[tilespmem:s21+$0x10] =	vst v2  }
0x3a: {  	v60 =	vld.idx.msk [tilespmem:v0+s20+$0xFFFFFFF0 ss:$0x1], $0xffff;
	s31 =	sadd.s32 $0x800, s21;
	[tilespmem:s21+$0x20] =	vst v6  }
0x3b: {  	v61 =	vld.idx.msk [tilespmem:v0+s20+$0x0 ss:$0x1], $0xffff;
	[tilespmem:s31+$0x30] =	vst v56  }
0x3c: {  	v62 =	vld.idx.msk [tilespmem:v0+s20+$0x10 ss:$0x1], $0xffff;
	s19 =	sadd.s32 $0x1, s19;
	[tilespmem:s31+$0xFFFFFFC0] =	vst v57  }
0x3d: {  	v63 =	vld.idx.msk [tilespmem:v0+s20+$0x20 ss:$0x1], $0xffff;
	p0 =	sne.s32 s19, $0x10;
	[tilespmem:s31+$0xFFFFFFD0] =	vst v58  }
.Ltmp4:
0x3e: {  	[tilespmem:s31+$0xFFFFFFE0] =	vst v59;
	(pc) =	sbr.rel @p0 .LBB1_3-.Ltmp4, $4  }
0x3f: {  	[tilespmem:s31+$0xFFFFFFF0] =	vst v60  }
0x40: {  	[tilespmem:s31+$0x0] =	vst v61  }
0x41: {  	[tilespmem:s31+$0x10] =	vst v62  }
0x42: {  	s16 =	sadd.s32 $0x80, s16;
	s18 =	sadd.s32 $0x400, s18;
	[tilespmem:s31+$0x20] =	vst v63  }
.Ltmp5:
0x43: {  	(pc) =	sbr.rel .LBB1_7-.Ltmp5, $4  }
0x44: {  	s15 =	sshll.u32 s15, $0xE  }
0x45: {  	s14 =	sshll.u32 s14, $0x4;
	s15 =	sadd.s32 s4, s15  }
0x46: {  	s14 =	sadd.s32 s14, s15  }
0x47: {  	[hbm4b:s14+s9] =	stream.strided.scatter [tilespmem:s17], [sflag:$0x2], $0x4000, s10, s9, $0x38;
	[tilespmem:$0x10000] =	vst v63  }
.LBB1_8:
0x48: {  	_ =	sfence.sel $0x180000  }
0x49: {  	s2 =	simm.s32 $0x1;
	[bflag:$0x0] =	sbarrier.arrive $0xFFFF  }
0x4a: {  	s31 =	simm.s32 $0x2;
	[sflag:s2] =	ssyncpa.u1 $0x1  }
0x4b: {  	[sflag:s31] =	ssyncpa.u1 $0x1  }
0x4c: {  	p0 =	sne.s32 s0, $0x0;
	_ =	strace $0x90000047  }
0x4d: {  	s0 =	sadd.s32 @!p0 $0x100000, s1;
	[bflag:$0x2] =	sbarrier.arrive $0xFFFF  }
0x4e: {  	[sflag:s0] =	ssyncadd.tile.s32 @!p0 $0x1;
	_ =	shalt  }
.Lfunc_end1:
_tile_overlayer_lowered:
.L_overlay_start_2:
0x4f: {  	(tag) =	ssettag $0x2  }
0x50: {  	s0 =	rddreg [dreg:$0x0];
	s2 =	stileid.u32  }
0x51: {  	s1 =	rddreg [dreg:$0x1];
	p0 =	sne.s32 s2, $0x0  }
0x52: {  	s3 =	rddreg [dreg:$0x2];
	[bflag:$0x3] =	sbarrier.arrive $0xFFFF;
	s2 =	simm.s32 @!p0 $0x1C01  }
0x53: {  	[timem:s3], [sflag:s2] =	dma.local @!p0 [hbm:s0], s1  }
0x54: {  	s0 =	simm.s32 @!p0 $0x1  }
0x55: {  	_ =	swait.ge @!p0 [sflag:s0], s1  }
0x56: {  	s1 =	ssub.s32 @!p0 $0x0, s1;
	[sflag:s0] =	ssyncset.done @!p0 $0x0  }
0x57: {  	[sflag:s0] =	ssyncadd.s32 @!p0 s1  }
0x58: {  	[bflag:$0x3] =	sbarrier.arrive $0xFFFF  }
0x59: {  	_ =	shalt  }

// kernel: sparse-core-data-format-call.cloned.1.call-start
scs
called_computation_lowered:
.L_overlay_start_0:
0x0: {  	s2 =	sld [smem:$0x3FD9]  }
0x1: {  	s3 =	sld [smem:$0x3FFE];
	_ =	sdelay $0x1  }
0x2: {  	s1 =	srdreg.scid  }
0x3: {  	s0 =	sand.u32 $0x1, s1  }
0x4: {  	s18 =	sshll.u32 s0, $0xA;
	s2 =	sadd.s32 s3, s2  }
0x5: {  	s2 =	sadd.s32 s2, s18  }
0x6: {  	[smem:$0x3FC5] =	sst s2  }
0x7: {  	_ = 	snop  }
0x8: {  	s2 =	sld [smem:$0x3FD0];
	(tm) =	ssettm $0x1  }
0x9: {  	s19 =	sld [smem:$0x3FFB];
	_ =	sdelay $0x3  }
0xa: {  	_ =	strace s19  }
0xb: {  	s3 =	sld [smem:$0x3FFC];
	_ =	sdelay $0x3  }
0xc: {  	_ =	strace s3  }
0xd: {  	s3 =	sld [smem:$0x3FFD];
	_ =	sdelay $0x3  }
0xe: {  	_ =	strace s3  }
0xf: {  	_ =	strace $0x8FFFFFFF  }
0x10: {  	s20 =	sld [smem:$0x3FDB];
	_ =	sdelay $0x1  }
0x11: {  	s4 =	simm.s32 $_scs_section_size  }
0x12: {  	s5 =	simm.s32 $_size__tile_overlayer_lowered;
	s6 =	simm.s32 $_tile_overlayer_lowered  }
0x13: {  	s23 =	simm.s32 $0x1BFF;
	s22 =	sshll.u32 s6, $0x1;
	s3 =	sadd.s32 s4, s20  }
0x14: {  	s7 =	simm.s32 $0x0;
	s21 =	sshll.u32 s5, $0x1;
	s5 =	sadd.s32 s22, s3  }
0x15: {  	[timem:s7], [sflag:s23] =	dma.local [hbm:s5], s21  }
0x16: {  	_ =	swait.ge [sflag:s23], s21  }
0x17: {  	s4 =	ssub.s32 $0x0, s21;
	[sflag:s23] =	ssyncset.done $0x0  }
0x18: {  	[sflag:s23] =	ssyncadd.s32 s4;
	_ =	sdelay $0x1  }
0x19: {  	s24 =	simm.s32 $0x1B8B  }
0x1a: {  	_ =	swait.ge [sflag:s24], $0x1  }
0x1b: {  	[sflag:s24] =	ssyncset.done $0x0  }
0x1c: {  	s26 =	simm.s32 $0x1B8E;
	s25 =	sld [smem:$0x3FFE];
	[sflag:s24] =	ssyncadd.s32 $0xFFFFFFFF  }
0x1d: {  	s27 =	simm.s32 $execute0_lowered;
	[smem:$0x3FD2] =	sst s26  }
0x1e: {  	s5 =	sshll.u32 s27, $0x1;
	_ =	strace $0x8000004F;
	[dreg:$0x1] =	wrdreg $0xFFFFFFFF  }
0x1f: {  	s28 =	simm.s32 $_size_execute0_lowered;
	s3 =	sadd.s32 s3, s5;
	[dreg:$0x0] =	wrdreg $0x0  }
0x20: {  	s5 =	sshll.u32 s28, $0x1;
	[dreg:$0x2] =	wrdreg s3  }
0x21: {  	[dreg:$0x3] =	wrdreg s5  }
0x22: {  	[dreg:$0x4] =	wrdreg $0xC0  }
0x23: {  	_ =	task [dreg:s7], $0x5FFFF  }
0x24: {  	[dreg:$0x1] =	wrdreg $0xFFFFFFFF  }
0x25: {  	[dreg:$0x0] =	wrdreg $0x60  }
0x26: {  	[dreg:$0x2] =	wrdreg s25  }
0x27: {  	[dreg:$0x3] =	wrdreg s2  }
0x28: {  	[dreg:$0x4] =	wrdreg $0x9  }
0x29: {  	_ =	task.clear_ibuf [dreg:s7], $0x5FFFF;
	_ =	strace $0x9000004F  }
0x2a: {  	s29 =	simm.s32 $0x9;
	_ =	strace $0x80000051  }
0x2b: {  	_ =	swait.ge [sflag:s29], $0x1  }
0x2c: {  	[sflag:s29] =	ssyncadd.s32 $0xFFFFFFFF  }
0x2d: {  	_ =	strace $0x90000051  }
0x2e: {  	_ =	sfence  }
0x2f: {  	s30 =	sld [smem:$0x0];
	_ =	sdelay $0x2  }
0x30: {  	s31 =	sshll.u32 s1, $0xD;
	s1 =	sshrl.u32 s1, $0x2  }
0x31: {  	s3 =	sand.u32 $0x4000, s31;
	s1 =	sadd.s32 s1, s30  }
0x32: {  	s0 =	sor.u32 s3, s0;
	s1 =	sshll.u32 s1, $0x11  }
0x33: {  	s0 =	sor.u32 s1, s0  }
0x34: {  	s0 =	sadd.s32 $0x8F2B, s0  }
0x35: {  	[sflag:s0] =	ssyncadd.remote.s32 $0x1  }
0x36: {  	_ =	sfence.sel $0xFFFF  }
0x37: {  	[dreg:$0x0] =	wrdreg $0xFFFFFFFF;
	(pc) =	sbr.abs _section_cstart, $3  }
0x38: {  	[dreg:$0x1] =	wrdreg $0xFFFFFFFF  }
0x39: {  	_ =	task.clear_ibuf [dreg:s7], $0x2FFFF;
	_ =	strace $0x9FFFFFFF  }
0x3a: {  	(tm) =	ssettm $0x7FFFFFFF  }
0x3b: {  	_ =	shalt  }
tec
execute0_lowered:
.L_overlay_start_1:
0x0: {  	(tag) =	ssettag $0x1  }
0x1: {  	s0 =	srdreg.scid;
	s5 =	rddreg [dreg:$0x0]  }
0x2: {  	s3 =	rddreg [dreg:$0x1];
	s1 =	sshll.u32 s0, $0x4  }
0x3: {  	s7 =	simm.s32 $0x1;
	s0 =	stileid.u32;
	s1 =	sand.u32 $0x10, s1  }
0x4: {  	s8 =	simm.s32 $0x2;
	s15 =	simm.s32 $0x0;
	s1 =	sor.u32 s0, s1  }
0x5: {  	s14 =	simm.s32 $0x0;
	s9 =	simm.s32 $0x0;
	s2 =	sshll.u32 s1, $0x7  }
0x6: {  	s10 =	simm.s32 $0x0;
	s11 =	simm.s32 $0x0;
	s6 =	ssub.s32 $0x4000, s2  }
0x7: {  	s13 =	simm.s32 $0x0;
	s5 =	sadd.s32 $0x400, s5;
	s4 =	sand.u32 $0xF80, s6  }
.Ltmp0:
0x8: {  	s1 =	rddreg [dreg:$0x2];
	p0 =	sne.s32 s4, $0x0;
	(pc) =	sbr.rel .LBB1_1-.Ltmp0, $4  }
0x9: {  	_ =	strace $0x80000050;
	s6 =	sshrl.u32 s6, $0xC;
	s7 =	simm.s32 @!p0 $0x0  }
0xa: {  	s12 =	smov.u32 s2;
	s4 =	simm.s32 $0x1;
	s6 =	sadd.s32 s7, s6  }
0xb: {  	[sflag:s4] =	ssyncpa.u1 $0x0;
	p0 =	por $0x0, $0x0;
	s6 =	sshll.u32 s6, $0x3  }
0xc: {  	[sflag:s8] =	ssyncpa.u1 $0x0;
	s8 =	simm.s32 $0x20000;
	s7 =	sor.u32 $0x1, s6  }
.LBB1_4:
0xd: {  	s20 =	sshra.s32 s20, $0x2  }
0xe: {  	s28 =	sand.u32 $0x78, s10;
	s21 =	sshll.u32 s9, $0xE;
	s22 =	sshll.u32 s10, $0x3  }
0xf: {  	s24 =	sshll.u32 s9, $0x7;
	p1 =	sgt.s32 s9, $0x368;
	s30 =	sshra.s32 s9, $0x1F  }
0x10: {  	s26 =	sshra.s32 s10, $0x1F;
	s19 =	sadd.s32 s20, s19;
	s21 =	sand.u32 $0xFFFE0000, s21  }
0x11: {  	v5 =	vld [tilespmem:s17+$0xFFFFFFD0];
	[tilespmem:s18+$0x2040 ss:$0x81] =	vst.msk $0xffff, v4;
	s23 =	sand.u32 $0xFFFFFC00, s22;
	s29 =	sand.u32 $0x380, s24;
	s22 =	sand.u32 $0x3C00, s22  }
0x12: {  	v58 =	vld [tilespmem:s17+$0xFFFFFFE0];
	[tilespmem:s18+$0x2850 ss:$0x81] =	vst.msk $0xffff, v3;
	s21 =	sadd.s32 s23, s21;
	s20 =	sor.u32 s28, s22;
	s22 =	smov.u32 s9  }
0x13: {  	v59 =	vld [tilespmem:s17+$0xFFFFFFF0];
	[tilespmem:s18+$0x3060 ss:$0x81] =	vst.msk $0xffff, v2;
	s24 =	sand.u32 s30, s9;
	s21 =	sshrl.u32 s21, $0xE;
	s22 =	simm.s32 @!p1 $0x368  }
0x14: {  	v60 =	vld [tilespmem:s17+$0x0];
	[tilespmem:s18+$0x0 ss:$0x81] =	vst.msk $0xffff, v1;
	p1 =	sgt.s32 s10, $0x3F80;
	s31 =	ssub.s32 s22, s24;
	s22 =	smov.u32 s10  }
0x15: {  	v61 =	vld [tilespmem:s17+$0x10];
	[tilespmem:s19+$0x3870 ss:$0x81] =	vst.msk $0xffff, v0;
	s25 =	smulhi.u32 $0x418938, s21;
	s24 =	sand.u32 s26, s10;
	s22 =	simm.s32 @!p1 $0x3F80  }
0x16: {  	v62 =	vld [tilespmem:s17+$0x20];
	s20 =	sor.u32 s29, s20;
	[tilespmem:s19+$0x810 ss:$0x81] =	vst.msk $0xffff, v5;
	s27 =	sadd.s32 $0xFFFFFC98, s31;
	s22 =	ssub.s32 s22, s24  }
0x17: {  	v63 =	vld [tilespmem:s17+$0xFFFFFFC0];
	[tilespmem:s19+$0x1020 ss:$0x81] =	vst.msk $0xffff, v58;
	s18 =	ssub.s32 $0x3E8, s31;
	s28 =	smul.u32 $0x3E8, s25;
	s29 =	sadd.s32 $0xFFFFC080, s22  }
0x18: {  	[tilespmem:s19+$0x1830 ss:$0x81] =	vst.msk $0xffff, v59;
	p1 =	sgt.s32 s27, $0x7F;
	s22 =	ssub.s32 $0x4000, s22;
	p2 =	sgt.s32 s29, $0x7F  }
0x19: {  	s30 =	sand.u32 $0x7, s10;
	[tilespmem:s19+$0x2040 ss:$0x81] =	vst.msk $0xffff, v60;
	s18 =	simm.s32 @p1 $0x0;
	s22 =	simm.s32 @p2 $0x0  }
0x1a: {  	s20 =	sshrl.u32 s20, $0x3;
	[tilespmem:s19+$0x2850 ss:$0x81] =	vst.msk $0xffff, v61;
	s17 =	ssub.s32 s21, s28;
	s18 =	smul.u32 s22, s18  }
0x1b: {  	[tilespmem:s19+$0x3060 ss:$0x81] =	vst.msk $0xffff, v62;
	s20 =	sadd.s32 s3, s20;
	s21 =	sshll.u32 s30, $0x12;
	s17 =	sshll.u32 s17, $0xB  }
0x1c: {  	[tilespmem:s19+$0x0 ss:$0x81] =	vst.msk $0xffff, v63;
	s31 =	sor.u32 $0x400, s21;
	s17 =	sadd.s32 s17, s20;
	s18 =	sand.u32 $0x3FFFFFFF, s18  }
0x1d: {  	[hbm4b:s17+s31] =	stream.strided.scatter [tilespmem:s16], [sflag:$0x2], s18, s8, s31, $0x20;
	[tilespmem:$0x10100] =	vst v63  }
.LBB1_5:
0x1e: {  	p1 =	slt.u32 s13, $0x2  }
0x1f: {  	s17 =	smov.u32 s15;
	p2 =	sgt.s32 @!p1 s15, $0x368;
	s16 =	sshra.s32 @!p1 s15, $0x1F  }
0x20: {  	p3 =	sgt.s32 @!p1 s14, $0x3F80;
	s18 =	sshra.s32 @!p1 s14, $0x1F;
	p2 =	por !p2, p1  }
0x21: {  	s15 =	sand.u32 @!p1 s16, s15;
	p3 =	por !p3, p1;
	s16 =	smov.u32 s14  }
0x22: {  	s14 =	sand.u32 @!p1 s18, s14;
	s17 =	simm.s32 @p2 $0x368;
	s16 =	simm.s32 @p3 $0x3F80  }
0x23: {  	s15 =	ssub.s32 @!p1 s17, s15;
	s14 =	ssub.s32 @!p1 s16, s14  }
0x24: {  	s18 =	smov.u32 s12;
	s16 =	sadd.s32 @!p1 $0xFFFFFC98, s15;
	s17 =	sadd.s32 @!p1 $0xFFFFC080, s14  }
0x25: {  	s15 =	ssub.s32 @!p1 $0x3E8, s15;
	p2 =	sgt.s32 @!p1 s16, $0x7F;
	p3 =	sgt.s32 @!p1 s17, $0x7F  }
0x26: {  	s14 =	ssub.s32 @!p1 $0x4000, s14;
	p2 =	por !p2, p1;
	p3 =	por !p3, p1  }
0x27: {  	s16 =	sadd.s32 $0x80, s11;
	s15 =	simm.s32 @!p2 $0x0;
	s14 =	simm.s32 @!p3 $0x0  }
0x28: {  	p2 =	sgt.s32 s16, $0x3E7;
	s14 =	smul.u32 @!p1 s14, s15;
	s15 =	sadd.s32 $0x1000, s12  }
0x29: {  	s18 =	smov.u32 @p2 s15  }
0x2a: {  	s16 =	simm.s32 @p2 $0x0;
	p2 =	sgt.s32 s18, $0x3FFF  }
0x2b: {  	s18 =	smov.u32 @p2 s2;
	p2 =	sne.s32 s13, s7  }
.Ltmp1:
0x2c: {  	p0 =	por !p0, !p0;
	s17 =	simm.s32 @!p1 $0x2;
	(pc) =	sbr.rel @!p2 .LBB1_6-.Ltmp1, $4  }
0x2d: {  	s15 =	smov.u32 s9;
	s9 =	smov.u32 s11;
	s14 =	sand.u32 @!p1 $0x3FFFFFFF, s14  }
0x2e: {  	s11 =	smov.u32 s16;
	_ =	swait.ge @!p1 [sflag:s17], s14;
	s19 =	ssub.s32 @!p1 $0x0, s14  }
0x2f: {  	s14 =	smov.u32 s10;
	s13 =	sadd.s32 $0x1, s13;
	[sflag:s17] =	ssyncset.done @!p1 $0x0  }
0x30: {  	s10 =	smov.u32 s12;
	s12 =	smov.u32 s18;
	[sflag:s17] =	ssyncadd.s32 @!p1 s19  }
.LBB1_1:
0x31: {  	p1 =	sge.u32 s13, s6  }
0x32: {  	s31 =	sadd.s32 $0xFFFFFFFF, s13;
	s16 =	sshll.u32 @!p1 s12, $0xA  }
0x33: {  	s17 =	sshll.u32 @!p1 s11, $0x3;
	s18 =	sshll.u32 @!p1 s12, $0x7;
	s16 =	sand.u32 @!p1 $0xFFE000, s16  }
0x34: {  	s19 =	sand.u32 @!p1 $0x78, s11;
	s16 =	sadd.s32 @!p1 s16, s17;
	s17 =	sand.u32 @!p1 $0x380, s18  }
0x35: {  	s18 =	sxor.u32 @!p1 $0xFFFFFFFF, s13;
	s16 =	sand.u32 @!p1 $0xFFFC00, s16;
	s17 =	sor.u32 @!p1 s17, s19  }
0x36: {  	s18 =	sshll.u32 @!p1 s18, $0xE;
	s16 =	sor.u32 @!p1 s16, s17;
	s17 =	sand.u32 @!p1 $0x7, s11  }
0x37: {  	s19 =	simm.s32 @!p1 $0x2000;
	s16 =	sshrl.u32 @!p1 s16, $0x3;
	s17 =	sshll.u32 @!p1 s17, $0x12  }
0x38: {  	s18 =	sand.u32 @!p1 $0x4000, s18;
	s16 =	sadd.s32 @!p1 s5, s16;
	s17 =	sor.u32 @!p1 $0x400, s17  }
0x39: {  	[tilespmem:s18], [sflag:$0x1] =	stream.strided.gather @!p1 [hbm4b:s16+s17], $0x4000, s19, s17, $0x38;
	[tilespmem:$0x10100] =	vst v63  }
0x3a: {  	p1 =	sge.u32 s31, s6  }
.Ltmp2:
0x3b: {  	_ = 	snop;
	(pc) =	sbr.rel @p1 .LBB1_5-.Ltmp2, $1  }
0x3c: {  	_ =	sdelay $0x3  }
0x3d: {  	s16 =	simm.s32 $0x1  }
0x3e: {  	_ =	swait.ge [sflag:s4], $0x4000;
	s16 =	simm.s32 @!p0 $0x0  }
0x3f: {  	[sflag:s4] =	ssyncset.done $0x0;
	s17 =	sshll.u32 s16, $0xE  }
0x40: {  	[sflag:s4] =	ssyncadd.s32 $0xFFFFC000;
	s17 =	sor.u32 $0x40, s17  }
0x41: {  	s16 =	smul.u32 $0x10200, s16;
	v0 =	vld [tilespmem:s17+$0x30]  }
0x42: {  	v1 =	vld [tilespmem:s17+$0xFFFFFFD0]  }
0x43: {  	s16 =	sshrl.u32 s16, $0x2;
	v5 =	vld [tilespmem:s17+$0xFFFFFFE0]  }
0x44: {  	v6 =	vld [tilespmem:s17+$0xFFFFFFF0];
	s19 =	sor.u32 $0x8000, s16  }
0x45: {  	s31 =	sand.u32 $0x1, s13;
	v4 =	vld [tilespmem:s17+$0x0];
	s18 =	sadd.s32 $0x0, s19  }
0x46: {  	v3 =	vld [tilespmem:s17+$0x10];
	s16 =	smul.u32 $0x10200, s31;
	[tilespmem:s18+$0x3870 ss:$0x81] =	vst.msk $0xffff, v0  }
0x47: {  	v2 =	vld [tilespmem:s17+$0x20];
	[tilespmem:s18+$0x810 ss:$0x81] =	vst.msk $0xffff, v1  }
0x48: {  	s16 =	sshrl.u32 s16, $0x2;
	v1 =	vld [tilespmem:s17+$0xFFFFFFC0];
	[tilespmem:s18+$0x1020 ss:$0x81] =	vst.msk $0xffff, v5;
	s17 =	sadd.s32 $0x80, s17  }
0x49: {  	s20 =	simm.s32 $0x4;
	s21 =	simm.s32 $0x8;
	s16 =	sor.u32 $0x8000, s16;
	[tilespmem:s18+$0x1830 ss:$0x81] =	vst.msk $0xffff, v6;
	v0 =	vld [tilespmem:s17+$0x30]  }
.LBB1_3:
0x4a: {  	p1 =	sne.s32 s21, $0x1FC;
	v5 =	vld [tilespmem:s17+$0xFFFFFFD0];
	[tilespmem:s18+$0x2040 ss:$0x81] =	vst.msk $0xffff, v4  }
0x4b: {  	v6 =	vld [tilespmem:s17+$0xFFFFFFE0];
	[tilespmem:s18+$0x2850 ss:$0x81] =	vst.msk $0xffff, v3  }
0x4c: {  	s22 =	sshra.s32 s20, $0x2;
	s20 =	smov.u32 s21;
	v7 =	vld [tilespmem:s17+$0xFFFFFFF0];
	[tilespmem:s18+$0x3060 ss:$0x81] =	vst.msk $0xffff, v2  }
.Ltmp3:
0x4d: {  	v4 =	vld [tilespmem:s17+$0x0];
	[tilespmem:s18+$0x0 ss:$0x81] =	vst.msk $0xffff, v1;
	s18 =	sadd.s32 s22, s19;
	(pc) =	sbr.rel @p1 .LBB1_3-.Ltmp3, $4  }
0x4e: {  	v3 =	vld [tilespmem:s17+$0x10];
	[tilespmem:s18+$0x3870 ss:$0x81] =	vst.msk $0xffff, v0  }
0x4f: {  	[tilespmem:s18+$0x810 ss:$0x81] =	vst.msk $0xffff, v5;
	v2 =	vld [tilespmem:s17+$0x20]  }
0x50: {  	v1 =	vld [tilespmem:s17+$0xFFFFFFC0];
	[tilespmem:s18+$0x1020 ss:$0x81] =	vst.msk $0xffff, v6;
	s17 =	sadd.s32 $0x80, s17  }
0x51: {  	s21 =	sadd.s32 $0x4, s21;
	v0 =	vld [tilespmem:s17+$0x30];
	[tilespmem:s18+$0x1830 ss:$0x81] =	vst.msk $0xffff, v7  }
.Ltmp4:
0x52: {  	_ = 	snop;
	(pc) =	sbr.rel .LBB1_4-.Ltmp4, $1  }
0x53: {  	_ =	sdelay $0x3  }
.LBB1_6:
0x54: {  	_ =	sfence.sel $0x180000  }
0x55: {  	s2 =	simm.s32 $0x1;
	[bflag:$0x0] =	sbarrier.arrive $0xFFFF  }
0x56: {  	s31 =	simm.s32 $0x2;
	[sflag:s2] =	ssyncpa.u1 $0x1  }
0x57: {  	[sflag:s31] =	ssyncpa.u1 $0x1  }
0x58: {  	p0 =	sne.s32 s0, $0x0;
	_ =	strace $0x90000050  }
0x59: {  	s0 =	sadd.s32 @!p0 $0x100000, s1;
	[bflag:$0x2] =	sbarrier.arrive $0xFFFF  }
0x5a: {  	[sflag:s0] =	ssyncadd.tile.s32 @!p0 $0x1;
	_ =	shalt  }
.Lfunc_end1:
_tile_overlayer_lowered:
.L_overlay_start_2:
0x5b: {  	(tag) =	ssettag $0x2  }
0x5c: {  	s0 =	rddreg [dreg:$0x0];
	s2 =	stileid.u32  }
0x5d: {  	s1 =	rddreg [dreg:$0x1];
	p0 =	sne.s32 s2, $0x0  }
0x5e: {  	s3 =	rddreg [dreg:$0x2];
	[bflag:$0x3] =	sbarrier.arrive $0xFFFF;
	s2 =	simm.s32 @!p0 $0x1C01  }
0x5f: {  	[timem:s3], [sflag:s2] =	dma.local @!p0 [hbm:s0], s1  }
0x60: {  	s0 =	simm.s32 @!p0 $0x1  }
0x61: {  	_ =	swait.ge @!p0 [sflag:s0], s1  }
0x62: {  	s1 =	ssub.s32 @!p0 $0x0, s1;
	[sflag:s0] =	ssyncset.done @!p0 $0x0  }
0x63: {  	[sflag:s0] =	ssyncadd.s32 @!p0 s1  }
0x64: {  	[bflag:$0x3] =	sbarrier.arrive $0xFFFF  }
0x65: {  	_ =	shalt  }

</sc_bundles>
